<compile_context>
chip_gen: v7x
topology: tpu7x:2x2x1
jax: 0.10.2.dev20260603
libtpu: 0.0.44.dev20260713+nightly
codegen_flags: <defaults>
</compile_context>

<pallas_src>
import functools

import jax
import jax.numpy as jnp
from jax import lax
from jax.experimental import pallas as pl
from jax.experimental.pallas import tpu as pltpu
from jax.experimental.pallas import tpu_sc as plsc

NG = 4096
NNZ = 8192
P_MAX = 81920
PK_LEN = P_MAX + 8



def _apply_pairs(x_ref, w_ref, cnt_ref, pk_ref, y_ref, ci, co):
    def body(p, carry):
        code = pk_ref[p]
        i = code & (NNZ - 1)
        j = (code >> 13) & (NNZ - 1)
        kk = code >> 26
        neg = kk >= 9
        k = jnp.where(neg, kk - 9, kk)
        s = jnp.where(neg, jnp.float32(-1.0), jnp.float32(1.0))
        row = x_ref[pl.ds(j, 1), :]
        wk = w_ref[k]
        contrib = jnp.dot(row, wk, preferred_element_type=jnp.float32)
        y_ref[pl.ds(i, 1), :] = y_ref[pl.ds(i, 1), :] + s * contrib
        return carry

    lax.fori_loop(0, cnt_ref[0], body, 0)


def _prelu_ref(y_ref, a_ref):
    a = a_ref[0]
    yv = y_ref[...]
    y_ref[...] = jnp.where(yv >= 0, yv, a * yv)


def _l12_body(av_ref, w1_ref, b1_ref, a1_ref, w2_ref, b2_ref, a2_ref,
              cnt_ref, pk_ref, y_ref, x_s):
    x1 = av_ref[...] * w1_ref[...] + b1_ref[...]
    a1 = a1_ref[0]
    x_s[...] = jnp.where(x1 >= 0, x1, a1 * x1)
    y_ref[...] = (jnp.dot(x_s[...], w2_ref[4], preferred_element_type=jnp.float32)
                  + b2_ref[...])
    _apply_pairs(x_s, w2_ref, cnt_ref, pk_ref, y_ref, 64, 256)
    _prelu_ref(y_ref, a2_ref)


def _conv_body(x_ref, w_ref, b_ref, a_ref, cnt_ref, pk_ref, y_ref, *, ci, co):
    y_ref[...] = (jnp.dot(x_ref[...], w_ref[4], preferred_element_type=jnp.float32)
                  + b_ref[...])
    _apply_pairs(x_ref, w_ref, cnt_ref, pk_ref, y_ref, ci, co)
    _prelu_ref(y_ref, a_ref)


_SMEM = pl.BlockSpec(memory_space=pltpu.SMEM)


def _vspec():
    return pl.BlockSpec(memory_space=pltpu.VMEM)


def _layer12(av, w1, b1, a1, w2, b2, a2, cnt, pk):
    return pl.pallas_call(
        _l12_body,
        out_shape=jax.ShapeDtypeStruct((NNZ, 256), jnp.float32),
        in_specs=[_vspec(), _vspec(), _vspec(), _SMEM,
                  _vspec(), _vspec(), _SMEM, _SMEM, _SMEM],
        out_specs=_vspec(),
        scratch_shapes=[pltpu.VMEM((NNZ, 64), jnp.float32)],
    )(av, w1, b1, a1, w2, b2, a2, cnt, pk)


def _conv_layer(x, w, b, a, cnt, pk, ci, co):
    return pl.pallas_call(
        functools.partial(_conv_body, ci=ci, co=co),
        out_shape=jax.ShapeDtypeStruct((NNZ, co), jnp.float32),
        in_specs=[_vspec(), _vspec(), _vspec(), _SMEM, _SMEM, _SMEM],
        out_specs=_vspec(),
    )(x, w, b, a, cnt, pk)



WORDS = NG * NG
NW = 32
W_WORDS = WORDS // NW
PASS_WORDS = 65536
NPASS = W_WORDS // PASS_WORDS
NENT = 2 * NNZ


def _scatter_body(addr_hbm, val_hbm, zeros_hbm, out_hbm, addr_v, val_v, buf):
    cid = lax.axis_index("c")
    sid = lax.axis_index("s")
    wid = sid * 2 + cid
    pltpu.sync_copy(addr_hbm, addr_v)
    pltpu.sync_copy(val_hbm, val_v)
    base0 = wid * W_WORDS
    for p in range(NPASS):
        base = base0 + p * PASS_WORDS
        pltpu.sync_copy(zeros_hbm, buf)

        def chunk(t, carry, base=base):
            a = addr_v[pl.ds(t * 16, 16)]
            val = val_v[pl.ds(t * 16, 16)]
            rel = a - base
            m = (rel >= 0) & (rel < PASS_WORDS)
            plsc.addupdate_scatter(buf, [jnp.where(m, rel, 0)], val, mask=m)
            return carry

        lax.fori_loop(0, NENT // 16, chunk, 0)
        pltpu.sync_copy(buf, out_hbm.at[pl.ds(base, PASS_WORDS)])


@functools.lru_cache(maxsize=1)
def _scatter_sym():
    return pl.kernel(
        _scatter_body,
        out_type=jax.ShapeDtypeStruct((WORDS,), jnp.float32),
        mesh=plsc.VectorSubcoreMesh(core_axis_name="c", subcore_axis_name="s"),
        scratch_types=[
            pltpu.VMEM((NENT,), jnp.int32),
            pltpu.VMEM((NENT,), jnp.float32),
            pltpu.VMEM((PASS_WORDS,), jnp.float32),
        ],
        compiler_params=pltpu.CompilerParams(needs_layout_passes=False),
    )




def _structure(r, c):
    ar = jnp.arange(NNZ, dtype=jnp.int32)
    idx_map = jnp.full((NG, NG), -1, jnp.int32).at[r, c].set(ar)
    dy = jnp.array([-1, -1, -1, 0, 0, 0, 1, 1, 1], jnp.int32)
    dx = jnp.array([-1, 0, 1, -1, 0, 1, -1, 0, 1], jnp.int32)
    rr = r[None, :] + dy[:, None]
    cc = c[None, :] + dx[:, None]
    inb = (rr >= 0) & (rr < NG) & (cc >= 0) & (cc < NG)
    nb = idx_map[jnp.clip(rr, 0, NG - 1), jnp.clip(cc, 0, NG - 1)]
    valid = inb & (nb >= 0)
    nb4 = nb[4]
    dup = nb4 != ar
    flags = valid.at[4].set(dup)
    cand_i = jnp.tile(ar, 10)
    cand_j = jnp.concatenate([nb.reshape(-1), ar])
    cand_k = jnp.concatenate(
        [jnp.repeat(jnp.arange(9, dtype=jnp.int32), NNZ),
         jnp.full((NNZ,), 13, jnp.int32)])
    fl = jnp.concatenate([flags.reshape(-1), dup])
    code = cand_i | (jnp.where(fl, cand_j, 0) << 13) | (cand_k << 26)
    pos = jnp.cumsum(fl.astype(jnp.int32)) - 1
    cnt = jnp.sum(fl.astype(jnp.int32)).reshape(1)
    tgt = jnp.where(fl, pos, P_MAX)
    pk = jnp.zeros((PK_LEN,), jnp.int32).at[tgt].set(code)
    return pk, cnt


def _network(A_values, pk, cnt, W1, b1, a1, W2, b2, a2, W3, b3, a3,
             W4, b4, a4, W5, b5, a5, W6, b6, a6):
    av = A_values.reshape(NNZ, 1)
    x2 = _layer12(av, W1.reshape(1, 64), b1.reshape(1, 64),
                  a1.reshape(1), W2, b2.reshape(1, 256), a2.reshape(1),
                  cnt, pk)
    x3 = _conv_layer(x2, W3, b3.reshape(1, 512), a3.reshape(1), cnt, pk,
                     256, 512)
    x4 = _conv_layer(x3, W4, b4.reshape(1, 256), a4.reshape(1), cnt, pk,
                     512, 256)
    x5 = _conv_layer(x4, W5, b5.reshape(1, 64), a5.reshape(1), cnt, pk,
                     256, 64)
    x6 = _conv_layer(x5, W6, b6.reshape(1, 1), a6.reshape(1), cnt, pk,
                     64, 1)
    return x6.reshape(NNZ)


def kernel(A_values, A_indices, W1, b1, a1, W2, b2, a2, W3, b3, a3,
           W4, b4, a4, W5, b5, a5, W6, b6, a6):
    r = A_indices[0].astype(jnp.int32)
    c = A_indices[1].astype(jnp.int32)
    pk, cnt = _structure(r, c)
    x6 = _network(A_values, pk, cnt, W1, b1, a1, W2, b2, a2, W3, b3, a3,
                  W4, b4, a4, W5, b5, a5, W6, b6, a6)
    addr = jnp.concatenate([r * NG + c, c * NG + r]).astype(jnp.int32)
    vals = 0.5 * jnp.concatenate([x6, x6])
    zeros = jnp.zeros((PASS_WORDS,), jnp.float32)
    flat = _scatter_sym()(addr, vals, zeros)
    return flat.reshape(NG, NG)

# --- scband reference (transcript-rebuilt; emitter-appended) ---
"""Pipeline reference for scband-precond-net-82798379532799 (READ-ONLY COPY).

The authoritative reference and input builder live on the scoring server;
editing this copy changes nothing except your own understanding.
"""

import jax, jax.numpy as jnp
import numpy as np

N_GRID = 4096
NNZ = 8192
OFFS = [(-1, -1), (-1, 0), (-1, 1), (0, -1), (0, 0), (0, 1), (1, -1), (1, 0), (1, 1)]


def _prelu(x, a):
    return jnp.where(x >= 0, x, a * x)


def _conv3(feat, W, b, r, c, idx_map):
    n = feat.shape[0]
    out = jnp.zeros((n, W.shape[2]), dtype=feat.dtype)
    for k, (dy, dx) in enumerate(OFFS):
        rr = r + dy
        cc = c + dx
        inb = (rr >= 0) & (rr < N_GRID) & (cc >= 0) & (cc < N_GRID)
        nb = idx_map[jnp.clip(rr, 0, N_GRID - 1), jnp.clip(cc, 0, N_GRID - 1)]
        valid = inb & (nb >= 0)
        g = jnp.take(feat, jnp.clip(nb, 0, n - 1), axis=0)
        g = jnp.where(valid[:, None], g, 0.0)
        out = out + g @ W[k]
    return out + b


def setup_inputs(seed: int = 0):
    key = jax.random.key(seed)
    ks = jax.random.split(key, 20)
    inp = {}
    inp['A_values'] = jax.random.normal(ks[0], (NNZ,), dtype=jnp.float32)
    inp['A_indices'] = jax.random.randint(ks[1], (2, NNZ), 0, N_GRID, dtype=jnp.int32)
    dims = [(1, 64, 1), (64, 256, 3), (256, 512, 3), (512, 256, 3), (256, 64, 3), (64, 1, 3)]
    for i, (ci, co, kk) in enumerate(dims, start=1):
        kw = jax.random.split(ks[i + 1], 2)
        if kk == 1:
            W = jax.random.normal(kw[0], (ci, co), jnp.float32) * 0.05
        else:
            W = jax.random.normal(kw[0], (9, ci, co), jnp.float32) * 0.05
        inp['W%d' % i] = W
        inp['b%d' % i] = jnp.zeros((co,), jnp.float32)
        inp['a%d' % i] = jnp.float32(0.25)
    return inp


def reference(A_values, A_indices, W1, b1, a1, W2, b2, a2, W3, b3, a3, W4, b4, a4, W5, b5, a5, W6, b6, a6):
    r = A_indices[0].astype(jnp.int32)
    c = A_indices[1].astype(jnp.int32)
    idx_map = jnp.full((N_GRID, N_GRID), -1, jnp.int32).at[r, c].set(jnp.arange(NNZ, dtype=jnp.int32))
    feat = A_values[:, None]
    x = _prelu(feat @ W1 + b1, a1)
    x = _prelu(_conv3(x, W2, b2, r, c, idx_map), a2)
    x = _prelu(_conv3(x, W3, b3, r, c, idx_map), a3)
    x = _prelu(_conv3(x, W4, b4, r, c, idx_map), a4)
    x = _prelu(_conv3(x, W5, b5, r, c, idx_map), a5)
    x = _prelu(_conv3(x, W6, b6, r, c, idx_map), a6)
    D = jnp.zeros((N_GRID, N_GRID), jnp.float32).at[r, c].add(x[:, 0])
    return 0.5 * (D + D.T)

if __name__ == "__main__":
    import jax
    _d = setup_inputs()
    print(jax.jit(kernel)(*tuple(_d.values())))

</pallas_src>

<mosaic_0001>
#map = affine_map<(d0, d1) -> (0)>
module attributes {stable_mosaic.version = 14 : i64} {
  func.func @_scatter_body(%arg0: i32, %arg1: i32, %arg2: memref<16384xi32, #tpu.memory_space<hbm>>, %arg3: memref<16384xf32, #tpu.memory_space<hbm>>, %arg4: memref<65536xf32, #tpu.memory_space<hbm>>, %arg5: memref<16777216xf32, #tpu.memory_space<hbm>>, %arg6: memref<16384xi32, #tpu.memory_space<vmem>>, %arg7: memref<16384xf32, #tpu.memory_space<vmem>>, %arg8: memref<65536xf32, #tpu.memory_space<vmem>>) attributes {dimension_semantics = [#tpu.dimension_semantics<core_parallel>, #tpu.dimension_semantics<subcore_parallel>], iteration_bounds = array<i64: 2, 16>, scalar_prefetch = 0 : i64, scratch_operands = 3 : i64, tpu.core_type = #tpu.core_type<sc_vector_subcore>, window_params = [{transform_indices = #map}, {transform_indices = #map}, {transform_indices = #map}, {transform_indices = #map}]} {
    %mul3A = arith.constant 2 : i32
    %mul3A_0 = arith.muli %arg1, %mul3A : i32
    %add3A = arith.addi %mul3A_0, %arg0 : i32
    "tpu.region"() ({
      %run_scoped3A = tpu.sem_alloc : memref<!tpu.dma_semaphore, #tpu.memory_space<semaphore_mem>>
      tpu.enqueue_dma source(%arg2 : memref<16384xi32, #tpu.memory_space<hbm>>) target(%arg6 : memref<16384xi32, #tpu.memory_space<vmem>>) target_semaphore(%run_scoped3A : memref<!tpu.dma_semaphore, #tpu.memory_space<semaphore_mem>>)
      tpu.wait_dma2 semaphore(%run_scoped3A : memref<!tpu.dma_semaphore, #tpu.memory_space<semaphore_mem>>) src(%arg2 : memref<16384xi32, #tpu.memory_space<hbm>>) dst(%arg6 : memref<16384xi32, #tpu.memory_space<vmem>>)
      tpu.yield
    }) : () -> ()
    "tpu.region"() ({
      %run_scoped3A = tpu.sem_alloc : memref<!tpu.dma_semaphore, #tpu.memory_space<semaphore_mem>>
      tpu.enqueue_dma source(%arg3 : memref<16384xf32, #tpu.memory_space<hbm>>) target(%arg7 : memref<16384xf32, #tpu.memory_space<vmem>>) target_semaphore(%run_scoped3A : memref<!tpu.dma_semaphore, #tpu.memory_space<semaphore_mem>>)
      tpu.wait_dma2 semaphore(%run_scoped3A : memref<!tpu.dma_semaphore, #tpu.memory_space<semaphore_mem>>) src(%arg3 : memref<16384xf32, #tpu.memory_space<hbm>>) dst(%arg7 : memref<16384xf32, #tpu.memory_space<vmem>>)
      tpu.yield
    }) : () -> ()
    %mul3A_1 = arith.constant 524288 : i32
    %mul3A_2 = arith.muli %add3A, %mul3A_1 : i32
    %add3A_3 = arith.constant 0 : i32
    %add3A_4 = arith.addi %mul3A_2, %add3A_3 : i32
    "tpu.region"() ({
      %run_scoped3A = tpu.sem_alloc : memref<!tpu.dma_semaphore, #tpu.memory_space<semaphore_mem>>
      tpu.enqueue_dma source(%arg4 : memref<65536xf32, #tpu.memory_space<hbm>>) target(%arg8 : memref<65536xf32, #tpu.memory_space<vmem>>) target_semaphore(%run_scoped3A : memref<!tpu.dma_semaphore, #tpu.memory_space<semaphore_mem>>)
      tpu.wait_dma2 semaphore(%run_scoped3A : memref<!tpu.dma_semaphore, #tpu.memory_space<semaphore_mem>>) src(%arg4 : memref<65536xf32, #tpu.memory_space<hbm>>) dst(%arg8 : memref<65536xf32, #tpu.memory_space<vmem>>)
      tpu.yield
    }) : () -> ()
    %scan3A = arith.constant 0 : i32
    %scan3A_5 = arith.constant 0 : i32
    %scan3A_6 = arith.constant 1024 : i32
    %scan3A_7 = arith.addi %scan3A_5, %scan3A_6 : i32
    %scan3A_8 = arith.constant 1 : i32
    scf.for %scan3A_66 = %scan3A_5 to %scan3A_7 step %scan3A_8  : i32 {
      %mul3A_67 = arith.constant 16 : i32
      %mul3A_68 = arith.muli %scan3A_66, %mul3A_67 : i32
      %get3A = arith.index_cast %mul3A_68 : i32 to index
      %get3A_69 = tpu.vector_load %arg6[%get3A] {strides = array<i32>} : memref<16384xi32, #tpu.memory_space<vmem>>, vector<16xi32>,
      %mul3A_70 = arith.constant 16 : i32
      %mul3A_71 = arith.muli %scan3A_66, %mul3A_70 : i32
      %get3A_72 = arith.index_cast %mul3A_71 : i32 to index
      %get3A_73 = tpu.vector_load %arg7[%get3A_72] {strides = array<i32>} : memref<16384xf32, #tpu.memory_space<vmem>>, vector<16xf32>,
      %sub3A = vector.broadcast %add3A_4 : i32 to vector<16xi32>
      %sub3A_74 = arith.subi %get3A_69, %sub3A : vector<16xi32>
      %ge3A = arith.constant 0 : i32
      %ge3A_75 = vector.broadcast %ge3A : i32 to vector<16xi32>
      %ge3A_76 = arith.cmpi sge, %sub3A_74, %ge3A_75 : vector<16xi32>
      %lt3A = arith.constant 65536 : i32
      %lt3A_77 = vector.broadcast %lt3A : i32 to vector<16xi32>
      %lt3A_78 = arith.cmpi slt, %sub3A_74, %lt3A_77 : vector<16xi32>
      %and3A = arith.andi %ge3A_76, %lt3A_78 : vector<16xi1>
      %jit3A = arith.constant 0 : i32
      %broadcast_in_dim3A = vector.broadcast %jit3A : i32 to vector<16xi32>
      %select_n3A = arith.select %and3A, %sub3A_74, %broadcast_in_dim3A : vector<16xi1>, vector<16xi32>
      tpu.vector_store_idx %arg8[%select_n3A], %get3A_73 masked %and3A {add = true} : memref<65536xf32, #tpu.memory_space<vmem>>[vector<16xi32>], vector<16xf32>, vector<16xi1>
    }
    %scan3A_9 = arith.constant 1024 : i32
    "tpu.region"() ({
      %run_scoped3A = tpu.sem_alloc : memref<!tpu.dma_semaphore, #tpu.memory_space<semaphore_mem>>
      %dma_start3A = tpu.memref_slice %arg5[%add3A_4] : memref<16777216xf32, #tpu.memory_space<hbm>> -> memref<65536xf32, #tpu.memory_space<hbm>>
      %dma_start3A_66 = tpu.memref_slice %arg5[%add3A_4] : memref<16777216xf32, #tpu.memory_space<hbm>> -> memref<65536xf32, #tpu.memory_space<hbm>>
      tpu.enqueue_dma source(%arg8 : memref<65536xf32, #tpu.memory_space<vmem>>) target(%dma_start3A_66 : memref<65536xf32, #tpu.memory_space<hbm>>) target_semaphore(%run_scoped3A : memref<!tpu.dma_semaphore, #tpu.memory_space<semaphore_mem>>)
      %dma_wait3A = tpu.memref_slice %arg5[%add3A_4] : memref<16777216xf32, #tpu.memory_space<hbm>> -> memref<65536xf32, #tpu.memory_space<hbm>>
      %dma_wait3A_67 = tpu.memref_slice %arg5[%add3A_4] : memref<16777216xf32, #tpu.memory_space<hbm>> -> memref<65536xf32, #tpu.memory_space<hbm>>
      tpu.wait_dma2 semaphore(%run_scoped3A : memref<!tpu.dma_semaphore, #tpu.memory_space<semaphore_mem>>) src(%arg8 : memref<65536xf32, #tpu.memory_space<vmem>>) dst(%dma_wait3A_67 : memref<65536xf32, #tpu.memory_space<hbm>>)
      tpu.yield
    }) : () -> ()
    %add3A_10 = arith.constant 65536 : i32
    %add3A_11 = arith.addi %mul3A_2, %add3A_10 : i32
    "tpu.region"() ({
      %run_scoped3A = tpu.sem_alloc : memref<!tpu.dma_semaphore, #tpu.memory_space<semaphore_mem>>
      tpu.enqueue_dma source(%arg4 : memref<65536xf32, #tpu.memory_space<hbm>>) target(%arg8 : memref<65536xf32, #tpu.memory_space<vmem>>) target_semaphore(%run_scoped3A : memref<!tpu.dma_semaphore, #tpu.memory_space<semaphore_mem>>)
      tpu.wait_dma2 semaphore(%run_scoped3A : memref<!tpu.dma_semaphore, #tpu.memory_space<semaphore_mem>>) src(%arg4 : memref<65536xf32, #tpu.memory_space<hbm>>) dst(%arg8 : memref<65536xf32, #tpu.memory_space<vmem>>)
      tpu.yield
    }) : () -> ()
    %scan3A_12 = arith.constant 0 : i32
    %scan3A_13 = arith.constant 0 : i32
    %scan3A_14 = arith.constant 1024 : i32
    %scan3A_15 = arith.addi %scan3A_13, %scan3A_14 : i32
    %scan3A_16 = arith.constant 1 : i32
    scf.for %scan3A_66 = %scan3A_13 to %scan3A_15 step %scan3A_16  : i32 {
      %mul3A_67 = arith.constant 16 : i32
      %mul3A_68 = arith.muli %scan3A_66, %mul3A_67 : i32
      %get3A = arith.index_cast %mul3A_68 : i32 to index
      %get3A_69 = tpu.vector_load %arg6[%get3A] {strides = array<i32>} : memref<16384xi32, #tpu.memory_space<vmem>>, vector<16xi32>,
      %mul3A_70 = arith.constant 16 : i32
      %mul3A_71 = arith.muli %scan3A_66, %mul3A_70 : i32
      %get3A_72 = arith.index_cast %mul3A_71 : i32 to index
      %get3A_73 = tpu.vector_load %arg7[%get3A_72] {strides = array<i32>} : memref<16384xf32, #tpu.memory_space<vmem>>, vector<16xf32>,
      %sub3A = vector.broadcast %add3A_11 : i32 to vector<16xi32>
      %sub3A_74 = arith.subi %get3A_69, %sub3A : vector<16xi32>
      %ge3A = arith.constant 0 : i32
      %ge3A_75 = vector.broadcast %ge3A : i32 to vector<16xi32>
      %ge3A_76 = arith.cmpi sge, %sub3A_74, %ge3A_75 : vector<16xi32>
      %lt3A = arith.constant 65536 : i32
      %lt3A_77 = vector.broadcast %lt3A : i32 to vector<16xi32>
      %lt3A_78 = arith.cmpi slt, %sub3A_74, %lt3A_77 : vector<16xi32>
      %and3A = arith.andi %ge3A_76, %lt3A_78 : vector<16xi1>
      %jit3A = arith.constant 0 : i32
      %broadcast_in_dim3A = vector.broadcast %jit3A : i32 to vector<16xi32>
      %select_n3A = arith.select %and3A, %sub3A_74, %broadcast_in_dim3A : vector<16xi1>, vector<16xi32>
      tpu.vector_store_idx %arg8[%select_n3A], %get3A_73 masked %and3A {add = true} : memref<65536xf32, #tpu.memory_space<vmem>>[vector<16xi32>], vector<16xf32>, vector<16xi1>
    }
    %scan3A_17 = arith.constant 1024 : i32
    "tpu.region"() ({
      %run_scoped3A = tpu.sem_alloc : memref<!tpu.dma_semaphore, #tpu.memory_space<semaphore_mem>>
      %dma_start3A = tpu.memref_slice %arg5[%add3A_11] : memref<16777216xf32, #tpu.memory_space<hbm>> -> memref<65536xf32, #tpu.memory_space<hbm>>
      %dma_start3A_66 = tpu.memref_slice %arg5[%add3A_11] : memref<16777216xf32, #tpu.memory_space<hbm>> -> memref<65536xf32, #tpu.memory_space<hbm>>
      tpu.enqueue_dma source(%arg8 : memref<65536xf32, #tpu.memory_space<vmem>>) target(%dma_start3A_66 : memref<65536xf32, #tpu.memory_space<hbm>>) target_semaphore(%run_scoped3A : memref<!tpu.dma_semaphore, #tpu.memory_space<semaphore_mem>>)
      %dma_wait3A = tpu.memref_slice %arg5[%add3A_11] : memref<16777216xf32, #tpu.memory_space<hbm>> -> memref<65536xf32, #tpu.memory_space<hbm>>
      %dma_wait3A_67 = tpu.memref_slice %arg5[%add3A_11] : memref<16777216xf32, #tpu.memory_space<hbm>> -> memref<65536xf32, #tpu.memory_space<hbm>>
      tpu.wait_dma2 semaphore(%run_scoped3A : memref<!tpu.dma_semaphore, #tpu.memory_space<semaphore_mem>>) src(%arg8 : memref<65536xf32, #tpu.memory_space<vmem>>) dst(%dma_wait3A_67 : memref<65536xf32, #tpu.memory_space<hbm>>)
      tpu.yield
    }) : () -> ()
    %add3A_18 = arith.constant 131072 : i32
    %add3A_19 = arith.addi %mul3A_2, %add3A_18 : i32
    "tpu.region"() ({
      %run_scoped3A = tpu.sem_alloc : memref<!tpu.dma_semaphore, #tpu.memory_space<semaphore_mem>>
      tpu.enqueue_dma source(%arg4 : memref<65536xf32, #tpu.memory_space<hbm>>) target(%arg8 : memref<65536xf32, #tpu.memory_space<vmem>>) target_semaphore(%run_scoped3A : memref<!tpu.dma_semaphore, #tpu.memory_space<semaphore_mem>>)
      tpu.wait_dma2 semaphore(%run_scoped3A : memref<!tpu.dma_semaphore, #tpu.memory_space<semaphore_mem>>) src(%arg4 : memref<65536xf32, #tpu.memory_space<hbm>>) dst(%arg8 : memref<65536xf32, #tpu.memory_space<vmem>>)
      tpu.yield
    }) : () -> ()
    %scan3A_20 = arith.constant 0 : i32
    %scan3A_21 = arith.constant 0 : i32
    %scan3A_22 = arith.constant 1024 : i32
    %scan3A_23 = arith.addi %scan3A_21, %scan3A_22 : i32
    %scan3A_24 = arith.constant 1 : i32
    scf.for %scan3A_66 = %scan3A_21 to %scan3A_23 step %scan3A_24  : i32 {
      %mul3A_67 = arith.constant 16 : i32
      %mul3A_68 = arith.muli %scan3A_66, %mul3A_67 : i32
      %get3A = arith.index_cast %mul3A_68 : i32 to index
      %get3A_69 = tpu.vector_load %arg6[%get3A] {strides = array<i32>} : memref<16384xi32, #tpu.memory_space<vmem>>, vector<16xi32>,
      %mul3A_70 = arith.constant 16 : i32
      %mul3A_71 = arith.muli %scan3A_66, %mul3A_70 : i32
      %get3A_72 = arith.index_cast %mul3A_71 : i32 to index
      %get3A_73 = tpu.vector_load %arg7[%get3A_72] {strides = array<i32>} : memref<16384xf32, #tpu.memory_space<vmem>>, vector<16xf32>,
      %sub3A = vector.broadcast %add3A_19 : i32 to vector<16xi32>
      %sub3A_74 = arith.subi %get3A_69, %sub3A : vector<16xi32>
      %ge3A = arith.constant 0 : i32
      %ge3A_75 = vector.broadcast %ge3A : i32 to vector<16xi32>
      %ge3A_76 = arith.cmpi sge, %sub3A_74, %ge3A_75 : vector<16xi32>
      %lt3A = arith.constant 65536 : i32
      %lt3A_77 = vector.broadcast %lt3A : i32 to vector<16xi32>
      %lt3A_78 = arith.cmpi slt, %sub3A_74, %lt3A_77 : vector<16xi32>
      %and3A = arith.andi %ge3A_76, %lt3A_78 : vector<16xi1>
      %jit3A = arith.constant 0 : i32
      %broadcast_in_dim3A = vector.broadcast %jit3A : i32 to vector<16xi32>
      %select_n3A = arith.select %and3A, %sub3A_74, %broadcast_in_dim3A : vector<16xi1>, vector<16xi32>
      tpu.vector_store_idx %arg8[%select_n3A], %get3A_73 masked %and3A {add = true} : memref<65536xf32, #tpu.memory_space<vmem>>[vector<16xi32>], vector<16xf32>, vector<16xi1>
    }
    %scan3A_25 = arith.constant 1024 : i32
    "tpu.region"() ({
      %run_scoped3A = tpu.sem_alloc : memref<!tpu.dma_semaphore, #tpu.memory_space<semaphore_mem>>
      %dma_start3A = tpu.memref_slice %arg5[%add3A_19] : memref<16777216xf32, #tpu.memory_space<hbm>> -> memref<65536xf32, #tpu.memory_space<hbm>>
      %dma_start3A_66 = tpu.memref_slice %arg5[%add3A_19] : memref<16777216xf32, #tpu.memory_space<hbm>> -> memref<65536xf32, #tpu.memory_space<hbm>>
      tpu.enqueue_dma source(%arg8 : memref<65536xf32, #tpu.memory_space<vmem>>) target(%dma_start3A_66 : memref<65536xf32, #tpu.memory_space<hbm>>) target_semaphore(%run_scoped3A : memref<!tpu.dma_semaphore, #tpu.memory_space<semaphore_mem>>)
      %dma_wait3A = tpu.memref_slice %arg5[%add3A_19] : memref<16777216xf32, #tpu.memory_space<hbm>> -> memref<65536xf32, #tpu.memory_space<hbm>>
      %dma_wait3A_67 = tpu.memref_slice %arg5[%add3A_19] : memref<16777216xf32, #tpu.memory_space<hbm>> -> memref<65536xf32, #tpu.memory_space<hbm>>
      tpu.wait_dma2 semaphore(%run_scoped3A : memref<!tpu.dma_semaphore, #tpu.memory_space<semaphore_mem>>) src(%arg8 : memref<65536xf32, #tpu.memory_space<vmem>>) dst(%dma_wait3A_67 : memref<65536xf32, #tpu.memory_space<hbm>>)
      tpu.yield
    }) : () -> ()
    %add3A_26 = arith.constant 196608 : i32
    %add3A_27 = arith.addi %mul3A_2, %add3A_26 : i32
    "tpu.region"() ({
      %run_scoped3A = tpu.sem_alloc : memref<!tpu.dma_semaphore, #tpu.memory_space<semaphore_mem>>
      tpu.enqueue_dma source(%arg4 : memref<65536xf32, #tpu.memory_space<hbm>>) target(%arg8 : memref<65536xf32, #tpu.memory_space<vmem>>) target_semaphore(%run_scoped3A : memref<!tpu.dma_semaphore, #tpu.memory_space<semaphore_mem>>)
      tpu.wait_dma2 semaphore(%run_scoped3A : memref<!tpu.dma_semaphore, #tpu.memory_space<semaphore_mem>>) src(%arg4 : memref<65536xf32, #tpu.memory_space<hbm>>) dst(%arg8 : memref<65536xf32, #tpu.memory_space<vmem>>)
      tpu.yield
    }) : () -> ()
    %scan3A_28 = arith.constant 0 : i32
    %scan3A_29 = arith.constant 0 : i32
    %scan3A_30 = arith.constant 1024 : i32
    %scan3A_31 = arith.addi %scan3A_29, %scan3A_30 : i32
    %scan3A_32 = arith.constant 1 : i32
    scf.for %scan3A_66 = %scan3A_29 to %scan3A_31 step %scan3A_32  : i32 {
      %mul3A_67 = arith.constant 16 : i32
      %mul3A_68 = arith.muli %scan3A_66, %mul3A_67 : i32
      %get3A = arith.index_cast %mul3A_68 : i32 to index
      %get3A_69 = tpu.vector_load %arg6[%get3A] {strides = array<i32>} : memref<16384xi32, #tpu.memory_space<vmem>>, vector<16xi32>,
      %mul3A_70 = arith.constant 16 : i32
      %mul3A_71 = arith.muli %scan3A_66, %mul3A_70 : i32
      %get3A_72 = arith.index_cast %mul3A_71 : i32 to index
      %get3A_73 = tpu.vector_load %arg7[%get3A_72] {strides = array<i32>} : memref<16384xf32, #tpu.memory_space<vmem>>, vector<16xf32>,
      %sub3A = vector.broadcast %add3A_27 : i32 to vector<16xi32>
      %sub3A_74 = arith.subi %get3A_69, %sub3A : vector<16xi32>
      %ge3A = arith.constant 0 : i32
      %ge3A_75 = vector.broadcast %ge3A : i32 to vector<16xi32>
      %ge3A_76 = arith.cmpi sge, %sub3A_74, %ge3A_75 : vector<16xi32>
      %lt3A = arith.constant 65536 : i32
      %lt3A_77 = vector.broadcast %lt3A : i32 to vector<16xi32>
      %lt3A_78 = arith.cmpi slt, %sub3A_74, %lt3A_77 : vector<16xi32>
      %and3A = arith.andi %ge3A_76, %lt3A_78 : vector<16xi1>
      %jit3A = arith.constant 0 : i32
      %broadcast_in_dim3A = vector.broadcast %jit3A : i32 to vector<16xi32>
      %select_n3A = arith.select %and3A, %sub3A_74, %broadcast_in_dim3A : vector<16xi1>, vector<16xi32>
      tpu.vector_store_idx %arg8[%select_n3A], %get3A_73 masked %and3A {add = true} : memref<65536xf32, #tpu.memory_space<vmem>>[vector<16xi32>], vector<16xf32>, vector<16xi1>
    }
    %scan3A_33 = arith.constant 1024 : i32
    "tpu.region"() ({
      %run_scoped3A = tpu.sem_alloc : memref<!tpu.dma_semaphore, #tpu.memory_space<semaphore_mem>>
      %dma_start3A = tpu.memref_slice %arg5[%add3A_27] : memref<16777216xf32, #tpu.memory_space<hbm>> -> memref<65536xf32, #tpu.memory_space<hbm>>
      %dma_start3A_66 = tpu.memref_slice %arg5[%add3A_27] : memref<16777216xf32, #tpu.memory_space<hbm>> -> memref<65536xf32, #tpu.memory_space<hbm>>
      tpu.enqueue_dma source(%arg8 : memref<65536xf32, #tpu.memory_space<vmem>>) target(%dma_start3A_66 : memref<65536xf32, #tpu.memory_space<hbm>>) target_semaphore(%run_scoped3A : memref<!tpu.dma_semaphore, #tpu.memory_space<semaphore_mem>>)
      %dma_wait3A = tpu.memref_slice %arg5[%add3A_27] : memref<16777216xf32, #tpu.memory_space<hbm>> -> memref<65536xf32, #tpu.memory_space<hbm>>
      %dma_wait3A_67 = tpu.memref_slice %arg5[%add3A_27] : memref<16777216xf32, #tpu.memory_space<hbm>> -> memref<65536xf32, #tpu.memory_space<hbm>>
      tpu.wait_dma2 semaphore(%run_scoped3A : memref<!tpu.dma_semaphore, #tpu.memory_space<semaphore_mem>>) src(%arg8 : memref<65536xf32, #tpu.memory_space<vmem>>) dst(%dma_wait3A_67 : memref<65536xf32, #tpu.memory_space<hbm>>)
      tpu.yield
    }) : () -> ()
    %add3A_34 = arith.constant 262144 : i32
    %add3A_35 = arith.addi %mul3A_2, %add3A_34 : i32
    "tpu.region"() ({
      %run_scoped3A = tpu.sem_alloc : memref<!tpu.dma_semaphore, #tpu.memory_space<semaphore_mem>>
      tpu.enqueue_dma source(%arg4 : memref<65536xf32, #tpu.memory_space<hbm>>) target(%arg8 : memref<65536xf32, #tpu.memory_space<vmem>>) target_semaphore(%run_scoped3A : memref<!tpu.dma_semaphore, #tpu.memory_space<semaphore_mem>>)
      tpu.wait_dma2 semaphore(%run_scoped3A : memref<!tpu.dma_semaphore, #tpu.memory_space<semaphore_mem>>) src(%arg4 : memref<65536xf32, #tpu.memory_space<hbm>>) dst(%arg8 : memref<65536xf32, #tpu.memory_space<vmem>>)
      tpu.yield
    }) : () -> ()
    %scan3A_36 = arith.constant 0 : i32
    %scan3A_37 = arith.constant 0 : i32
    %scan3A_38 = arith.constant 1024 : i32
    %scan3A_39 = arith.addi %scan3A_37, %scan3A_38 : i32
    %scan3A_40 = arith.constant 1 : i32
    scf.for %scan3A_66 = %scan3A_37 to %scan3A_39 step %scan3A_40  : i32 {
      %mul3A_67 = arith.constant 16 : i32
      %mul3A_68 = arith.muli %scan3A_66, %mul3A_67 : i32
      %get3A = arith.index_cast %mul3A_68 : i32 to index
      %get3A_69 = tpu.vector_load %arg6[%get3A] {strides = array<i32>} : memref<16384xi32, #tpu.memory_space<vmem>>, vector<16xi32>,
      %mul3A_70 = arith.constant 16 : i32
      %mul3A_71 = arith.muli %scan3A_66, %mul3A_70 : i32
      %get3A_72 = arith.index_cast %mul3A_71 : i32 to index
      %get3A_73 = tpu.vector_load %arg7[%get3A_72] {strides = array<i32>} : memref<16384xf32, #tpu.memory_space<vmem>>, vector<16xf32>,
      %sub3A = vector.broadcast %add3A_35 : i32 to vector<16xi32>
      %sub3A_74 = arith.subi %get3A_69, %sub3A : vector<16xi32>
      %ge3A = arith.constant 0 : i32
      %ge3A_75 = vector.broadcast %ge3A : i32 to vector<16xi32>
      %ge3A_76 = arith.cmpi sge, %sub3A_74, %ge3A_75 : vector<16xi32>
      %lt3A = arith.constant 65536 : i32
      %lt3A_77 = vector.broadcast %lt3A : i32 to vector<16xi32>
      %lt3A_78 = arith.cmpi slt, %sub3A_74, %lt3A_77 : vector<16xi32>
      %and3A = arith.andi %ge3A_76, %lt3A_78 : vector<16xi1>
      %jit3A = arith.constant 0 : i32
      %broadcast_in_dim3A = vector.broadcast %jit3A : i32 to vector<16xi32>
      %select_n3A = arith.select %and3A, %sub3A_74, %broadcast_in_dim3A : vector<16xi1>, vector<16xi32>
      tpu.vector_store_idx %arg8[%select_n3A], %get3A_73 masked %and3A {add = true} : memref<65536xf32, #tpu.memory_space<vmem>>[vector<16xi32>], vector<16xf32>, vector<16xi1>
    }
    %scan3A_41 = arith.constant 1024 : i32
    "tpu.region"() ({
      %run_scoped3A = tpu.sem_alloc : memref<!tpu.dma_semaphore, #tpu.memory_space<semaphore_mem>>
      %dma_start3A = tpu.memref_slice %arg5[%add3A_35] : memref<16777216xf32, #tpu.memory_space<hbm>> -> memref<65536xf32, #tpu.memory_space<hbm>>
      %dma_start3A_66 = tpu.memref_slice %arg5[%add3A_35] : memref<16777216xf32, #tpu.memory_space<hbm>> -> memref<65536xf32, #tpu.memory_space<hbm>>
      tpu.enqueue_dma source(%arg8 : memref<65536xf32, #tpu.memory_space<vmem>>) target(%dma_start3A_66 : memref<65536xf32, #tpu.memory_space<hbm>>) target_semaphore(%run_scoped3A : memref<!tpu.dma_semaphore, #tpu.memory_space<semaphore_mem>>)
      %dma_wait3A = tpu.memref_slice %arg5[%add3A_35] : memref<16777216xf32, #tpu.memory_space<hbm>> -> memref<65536xf32, #tpu.memory_space<hbm>>
      %dma_wait3A_67 = tpu.memref_slice %arg5[%add3A_35] : memref<16777216xf32, #tpu.memory_space<hbm>> -> memref<65536xf32, #tpu.memory_space<hbm>>
      tpu.wait_dma2 semaphore(%run_scoped3A : memref<!tpu.dma_semaphore, #tpu.memory_space<semaphore_mem>>) src(%arg8 : memref<65536xf32, #tpu.memory_space<vmem>>) dst(%dma_wait3A_67 : memref<65536xf32, #tpu.memory_space<hbm>>)
      tpu.yield
    }) : () -> ()
    %add3A_42 = arith.constant 327680 : i32
    %add3A_43 = arith.addi %mul3A_2, %add3A_42 : i32
    "tpu.region"() ({
      %run_scoped3A = tpu.sem_alloc : memref<!tpu.dma_semaphore, #tpu.memory_space<semaphore_mem>>
      tpu.enqueue_dma source(%arg4 : memref<65536xf32, #tpu.memory_space<hbm>>) target(%arg8 : memref<65536xf32, #tpu.memory_space<vmem>>) target_semaphore(%run_scoped3A : memref<!tpu.dma_semaphore, #tpu.memory_space<semaphore_mem>>)
      tpu.wait_dma2 semaphore(%run_scoped3A : memref<!tpu.dma_semaphore, #tpu.memory_space<semaphore_mem>>) src(%arg4 : memref<65536xf32, #tpu.memory_space<hbm>>) dst(%arg8 : memref<65536xf32, #tpu.memory_space<vmem>>)
      tpu.yield
    }) : () -> ()
    %scan3A_44 = arith.constant 0 : i32
    %scan3A_45 = arith.constant 0 : i32
    %scan3A_46 = arith.constant 1024 : i32
    %scan3A_47 = arith.addi %scan3A_45, %scan3A_46 : i32
    %scan3A_48 = arith.constant 1 : i32
    scf.for %scan3A_66 = %scan3A_45 to %scan3A_47 step %scan3A_48  : i32 {
      %mul3A_67 = arith.constant 16 : i32
      %mul3A_68 = arith.muli %scan3A_66, %mul3A_67 : i32
      %get3A = arith.index_cast %mul3A_68 : i32 to index
      %get3A_69 = tpu.vector_load %arg6[%get3A] {strides = array<i32>} : memref<16384xi32, #tpu.memory_space<vmem>>, vector<16xi32>,
      %mul3A_70 = arith.constant 16 : i32
      %mul3A_71 = arith.muli %scan3A_66, %mul3A_70 : i32
      %get3A_72 = arith.index_cast %mul3A_71 : i32 to index
      %get3A_73 = tpu.vector_load %arg7[%get3A_72] {strides = array<i32>} : memref<16384xf32, #tpu.memory_space<vmem>>, vector<16xf32>,
      %sub3A = vector.broadcast %add3A_43 : i32 to vector<16xi32>
      %sub3A_74 = arith.subi %get3A_69, %sub3A : vector<16xi32>
      %ge3A = arith.constant 0 : i32
      %ge3A_75 = vector.broadcast %ge3A : i32 to vector<16xi32>
      %ge3A_76 = arith.cmpi sge, %sub3A_74, %ge3A_75 : vector<16xi32>
      %lt3A = arith.constant 65536 : i32
      %lt3A_77 = vector.broadcast %lt3A : i32 to vector<16xi32>
      %lt3A_78 = arith.cmpi slt, %sub3A_74, %lt3A_77 : vector<16xi32>
      %and3A = arith.andi %ge3A_76, %lt3A_78 : vector<16xi1>
      %jit3A = arith.constant 0 : i32
      %broadcast_in_dim3A = vector.broadcast %jit3A : i32 to vector<16xi32>
      %select_n3A = arith.select %and3A, %sub3A_74, %broadcast_in_dim3A : vector<16xi1>, vector<16xi32>
      tpu.vector_store_idx %arg8[%select_n3A], %get3A_73 masked %and3A {add = true} : memref<65536xf32, #tpu.memory_space<vmem>>[vector<16xi32>], vector<16xf32>, vector<16xi1>
    }
    %scan3A_49 = arith.constant 1024 : i32
    "tpu.region"() ({
      %run_scoped3A = tpu.sem_alloc : memref<!tpu.dma_semaphore, #tpu.memory_space<semaphore_mem>>
      %dma_start3A = tpu.memref_slice %arg5[%add3A_43] : memref<16777216xf32, #tpu.memory_space<hbm>> -> memref<65536xf32, #tpu.memory_space<hbm>>
      %dma_start3A_66 = tpu.memref_slice %arg5[%add3A_43] : memref<16777216xf32, #tpu.memory_space<hbm>> -> memref<65536xf32, #tpu.memory_space<hbm>>
      tpu.enqueue_dma source(%arg8 : memref<65536xf32, #tpu.memory_space<vmem>>) target(%dma_start3A_66 : memref<65536xf32, #tpu.memory_space<hbm>>) target_semaphore(%run_scoped3A : memref<!tpu.dma_semaphore, #tpu.memory_space<semaphore_mem>>)
      %dma_wait3A = tpu.memref_slice %arg5[%add3A_43] : memref<16777216xf32, #tpu.memory_space<hbm>> -> memref<65536xf32, #tpu.memory_space<hbm>>
      %dma_wait3A_67 = tpu.memref_slice %arg5[%add3A_43] : memref<16777216xf32, #tpu.memory_space<hbm>> -> memref<65536xf32, #tpu.memory_space<hbm>>
      tpu.wait_dma2 semaphore(%run_scoped3A : memref<!tpu.dma_semaphore, #tpu.memory_space<semaphore_mem>>) src(%arg8 : memref<65536xf32, #tpu.memory_space<vmem>>) dst(%dma_wait3A_67 : memref<65536xf32, #tpu.memory_space<hbm>>)
      tpu.yield
    }) : () -> ()
    %add3A_50 = arith.constant 393216 : i32
    %add3A_51 = arith.addi %mul3A_2, %add3A_50 : i32
    "tpu.region"() ({
      %run_scoped3A = tpu.sem_alloc : memref<!tpu.dma_semaphore, #tpu.memory_space<semaphore_mem>>
      tpu.enqueue_dma source(%arg4 : memref<65536xf32, #tpu.memory_space<hbm>>) target(%arg8 : memref<65536xf32, #tpu.memory_space<vmem>>) target_semaphore(%run_scoped3A : memref<!tpu.dma_semaphore, #tpu.memory_space<semaphore_mem>>)
      tpu.wait_dma2 semaphore(%run_scoped3A : memref<!tpu.dma_semaphore, #tpu.memory_space<semaphore_mem>>) src(%arg4 : memref<65536xf32, #tpu.memory_space<hbm>>) dst(%arg8 : memref<65536xf32, #tpu.memory_space<vmem>>)
      tpu.yield
    }) : () -> ()
    %scan3A_52 = arith.constant 0 : i32
    %scan3A_53 = arith.constant 0 : i32
    %scan3A_54 = arith.constant 1024 : i32
    %scan3A_55 = arith.addi %scan3A_53, %scan3A_54 : i32
    %scan3A_56 = arith.constant 1 : i32
    scf.for %scan3A_66 = %scan3A_53 to %scan3A_55 step %scan3A_56  : i32 {
      %mul3A_67 = arith.constant 16 : i32
      %mul3A_68 = arith.muli %scan3A_66, %mul3A_67 : i32
      %get3A = arith.index_cast %mul3A_68 : i32 to index
      %get3A_69 = tpu.vector_load %arg6[%get3A] {strides = array<i32>} : memref<16384xi32, #tpu.memory_space<vmem>>, vector<16xi32>,
      %mul3A_70 = arith.constant 16 : i32
      %mul3A_71 = arith.muli %scan3A_66, %mul3A_70 : i32
      %get3A_72 = arith.index_cast %mul3A_71 : i32 to index
      %get3A_73 = tpu.vector_load %arg7[%get3A_72] {strides = array<i32>} : memref<16384xf32, #tpu.memory_space<vmem>>, vector<16xf32>,
      %sub3A = vector.broadcast %add3A_51 : i32 to vector<16xi32>
      %sub3A_74 = arith.subi %get3A_69, %sub3A : vector<16xi32>
      %ge3A = arith.constant 0 : i32
      %ge3A_75 = vector.broadcast %ge3A : i32 to vector<16xi32>
      %ge3A_76 = arith.cmpi sge, %sub3A_74, %ge3A_75 : vector<16xi32>
      %lt3A = arith.constant 65536 : i32
      %lt3A_77 = vector.broadcast %lt3A : i32 to vector<16xi32>
      %lt3A_78 = arith.cmpi slt, %sub3A_74, %lt3A_77 : vector<16xi32>
      %and3A = arith.andi %ge3A_76, %lt3A_78 : vector<16xi1>
      %jit3A = arith.constant 0 : i32
      %broadcast_in_dim3A = vector.broadcast %jit3A : i32 to vector<16xi32>
      %select_n3A = arith.select %and3A, %sub3A_74, %broadcast_in_dim3A : vector<16xi1>, vector<16xi32>
      tpu.vector_store_idx %arg8[%select_n3A], %get3A_73 masked %and3A {add = true} : memref<65536xf32, #tpu.memory_space<vmem>>[vector<16xi32>], vector<16xf32>, vector<16xi1>
    }
    %scan3A_57 = arith.constant 1024 : i32
    "tpu.region"() ({
      %run_scoped3A = tpu.sem_alloc : memref<!tpu.dma_semaphore, #tpu.memory_space<semaphore_mem>>
      %dma_start3A = tpu.memref_slice %arg5[%add3A_51] : memref<16777216xf32, #tpu.memory_space<hbm>> -> memref<65536xf32, #tpu.memory_space<hbm>>
      %dma_start3A_66 = tpu.memref_slice %arg5[%add3A_51] : memref<16777216xf32, #tpu.memory_space<hbm>> -> memref<65536xf32, #tpu.memory_space<hbm>>
      tpu.enqueue_dma source(%arg8 : memref<65536xf32, #tpu.memory_space<vmem>>) target(%dma_start3A_66 : memref<65536xf32, #tpu.memory_space<hbm>>) target_semaphore(%run_scoped3A : memref<!tpu.dma_semaphore, #tpu.memory_space<semaphore_mem>>)
      %dma_wait3A = tpu.memref_slice %arg5[%add3A_51] : memref<16777216xf32, #tpu.memory_space<hbm>> -> memref<65536xf32, #tpu.memory_space<hbm>>
      %dma_wait3A_67 = tpu.memref_slice %arg5[%add3A_51] : memref<16777216xf32, #tpu.memory_space<hbm>> -> memref<65536xf32, #tpu.memory_space<hbm>>
      tpu.wait_dma2 semaphore(%run_scoped3A : memref<!tpu.dma_semaphore, #tpu.memory_space<semaphore_mem>>) src(%arg8 : memref<65536xf32, #tpu.memory_space<vmem>>) dst(%dma_wait3A_67 : memref<65536xf32, #tpu.memory_space<hbm>>)
      tpu.yield
    }) : () -> ()
    %add3A_58 = arith.constant 458752 : i32
    %add3A_59 = arith.addi %mul3A_2, %add3A_58 : i32
    "tpu.region"() ({
      %run_scoped3A = tpu.sem_alloc : memref<!tpu.dma_semaphore, #tpu.memory_space<semaphore_mem>>
      tpu.enqueue_dma source(%arg4 : memref<65536xf32, #tpu.memory_space<hbm>>) target(%arg8 : memref<65536xf32, #tpu.memory_space<vmem>>) target_semaphore(%run_scoped3A : memref<!tpu.dma_semaphore, #tpu.memory_space<semaphore_mem>>)
      tpu.wait_dma2 semaphore(%run_scoped3A : memref<!tpu.dma_semaphore, #tpu.memory_space<semaphore_mem>>) src(%arg4 : memref<65536xf32, #tpu.memory_space<hbm>>) dst(%arg8 : memref<65536xf32, #tpu.memory_space<vmem>>)
      tpu.yield
    }) : () -> ()
    %scan3A_60 = arith.constant 0 : i32
    %scan3A_61 = arith.constant 0 : i32
    %scan3A_62 = arith.constant 1024 : i32
    %scan3A_63 = arith.addi %scan3A_61, %scan3A_62 : i32
    %scan3A_64 = arith.constant 1 : i32
    scf.for %scan3A_66 = %scan3A_61 to %scan3A_63 step %scan3A_64  : i32 {
      %mul3A_67 = arith.constant 16 : i32
      %mul3A_68 = arith.muli %scan3A_66, %mul3A_67 : i32
      %get3A = arith.index_cast %mul3A_68 : i32 to index
      %get3A_69 = tpu.vector_load %arg6[%get3A] {strides = array<i32>} : memref<16384xi32, #tpu.memory_space<vmem>>, vector<16xi32>,
      %mul3A_70 = arith.constant 16 : i32
      %mul3A_71 = arith.muli %scan3A_66, %mul3A_70 : i32
      %get3A_72 = arith.index_cast %mul3A_71 : i32 to index
      %get3A_73 = tpu.vector_load %arg7[%get3A_72] {strides = array<i32>} : memref<16384xf32, #tpu.memory_space<vmem>>, vector<16xf32>,
      %sub3A = vector.broadcast %add3A_59 : i32 to vector<16xi32>
      %sub3A_74 = arith.subi %get3A_69, %sub3A : vector<16xi32>
      %ge3A = arith.constant 0 : i32
      %ge3A_75 = vector.broadcast %ge3A : i32 to vector<16xi32>
      %ge3A_76 = arith.cmpi sge, %sub3A_74, %ge3A_75 : vector<16xi32>
      %lt3A = arith.constant 65536 : i32
      %lt3A_77 = vector.broadcast %lt3A : i32 to vector<16xi32>
      %lt3A_78 = arith.cmpi slt, %sub3A_74, %lt3A_77 : vector<16xi32>
      %and3A = arith.andi %ge3A_76, %lt3A_78 : vector<16xi1>
      %jit3A = arith.constant 0 : i32
      %broadcast_in_dim3A = vector.broadcast %jit3A : i32 to vector<16xi32>
      %select_n3A = arith.select %and3A, %sub3A_74, %broadcast_in_dim3A : vector<16xi1>, vector<16xi32>
      tpu.vector_store_idx %arg8[%select_n3A], %get3A_73 masked %and3A {add = true} : memref<65536xf32, #tpu.memory_space<vmem>>[vector<16xi32>], vector<16xf32>, vector<16xi1>
    }
    %scan3A_65 = arith.constant 1024 : i32
    "tpu.region"() ({
      %run_scoped3A = tpu.sem_alloc : memref<!tpu.dma_semaphore, #tpu.memory_space<semaphore_mem>>
      %dma_start3A = tpu.memref_slice %arg5[%add3A_59] : memref<16777216xf32, #tpu.memory_space<hbm>> -> memref<65536xf32, #tpu.memory_space<hbm>>
      %dma_start3A_66 = tpu.memref_slice %arg5[%add3A_59] : memref<16777216xf32, #tpu.memory_space<hbm>> -> memref<65536xf32, #tpu.memory_space<hbm>>
      tpu.enqueue_dma source(%arg8 : memref<65536xf32, #tpu.memory_space<vmem>>) target(%dma_start3A_66 : memref<65536xf32, #tpu.memory_space<hbm>>) target_semaphore(%run_scoped3A : memref<!tpu.dma_semaphore, #tpu.memory_space<semaphore_mem>>)
      %dma_wait3A = tpu.memref_slice %arg5[%add3A_59] : memref<16777216xf32, #tpu.memory_space<hbm>> -> memref<65536xf32, #tpu.memory_space<hbm>>
      %dma_wait3A_67 = tpu.memref_slice %arg5[%add3A_59] : memref<16777216xf32, #tpu.memory_space<hbm>> -> memref<65536xf32, #tpu.memory_space<hbm>>
      tpu.wait_dma2 semaphore(%run_scoped3A : memref<!tpu.dma_semaphore, #tpu.memory_space<semaphore_mem>>) src(%arg8 : memref<65536xf32, #tpu.memory_space<vmem>>) dst(%dma_wait3A_67 : memref<65536xf32, #tpu.memory_space<hbm>>)
      tpu.yield
    }) : () -> ()
    return
  }
}

module attributes {stable_mosaic.version = 14 : i64} {
  func.func @_l12_body(%arg0: memref<8192x1xf32, #tpu.memory_space<vmem>>, %arg1: memref<1x64xf32, #tpu.memory_space<vmem>>, %arg2: memref<1x64xf32, #tpu.memory_space<vmem>>, %arg3: memref<1xf32, #tpu.memory_space<smem>>, %arg4: memref<9x64x256xf32, #tpu.memory_space<vmem>>, %arg5: memref<1x256xf32, #tpu.memory_space<vmem>>, %arg6: memref<1xf32, #tpu.memory_space<smem>>, %arg7: memref<1xi32, #tpu.memory_space<smem>>, %arg8: memref<81928xi32, #tpu.memory_space<smem>>, %arg9: memref<8192x256xf32, #tpu.memory_space<vmem>>, %arg10: memref<8192x64xf32, #tpu.memory_space<vmem>>) attributes {dimension_semantics = [], scalar_prefetch = 0 : i64, scratch_operands = 1 : i64, tpu.core_type = #tpu.core_type<tc>} {
    %get3A = arith.constant 0 : index
    %get3A_0 = arith.constant 0 : index
    %get3A_1 = vector.load %arg0[%get3A, %get3A_0] : memref<8192x1xf32, #tpu.memory_space<vmem>>, vector<8192x1xf32>
    %get3A_2 = arith.constant 0 : index
    %get3A_3 = arith.constant 0 : index
    %get3A_4 = vector.load %arg1[%get3A_2, %get3A_3] : memref<1x64xf32, #tpu.memory_space<vmem>>, vector<1x64xf32>
    %mul3A = vector.broadcast %get3A_1 : vector<8192x1xf32> to vector<8192x64xf32>
    %mul3A_5 = vector.broadcast %get3A_4 : vector<1x64xf32> to vector<8192x64xf32>
    %mul3A_6 = arith.mulf %mul3A, %mul3A_5 : vector<8192x64xf32>
    %get3A_7 = arith.constant 0 : index
    %get3A_8 = arith.constant 0 : index
    %get3A_9 = vector.load %arg2[%get3A_7, %get3A_8] : memref<1x64xf32, #tpu.memory_space<vmem>>, vector<1x64xf32>
    %add3A = vector.broadcast %get3A_9 : vector<1x64xf32> to vector<8192x64xf32>
    %add3A_10 = arith.addf %mul3A_6, %add3A : vector<8192x64xf32>
    %get3A_11 = arith.constant 0 : index
    %get3A_12 = memref.load %arg3[%get3A_11] : memref<1xf32, #tpu.memory_space<smem>>
    %ge3A = arith.constant 0.000000e+00 : f32
    %ge3A_13 = vector.broadcast %ge3A : f32 to vector<8192x64xf32>
    %ge3A_14 = arith.cmpf oge, %add3A_10, %ge3A_13 : vector<8192x64xf32>
    %mul3A_15 = vector.broadcast %get3A_12 : f32 to vector<8192x64xf32>
    %mul3A_16 = arith.mulf %mul3A_15, %add3A_10 : vector<8192x64xf32>
    %select_n3A = arith.select %ge3A_14, %add3A_10, %mul3A_16 : vector<8192x64xi1>, vector<8192x64xf32>
    %swap3A = arith.constant 0 : index
    %swap3A_17 = arith.constant 0 : index
    %swap3A_18 = vector.load %arg10[%swap3A, %swap3A_17] : memref<8192x64xf32, #tpu.memory_space<vmem>>, vector<8192x64xf32>
    tpu.vector_store %arg10[%swap3A, %swap3A_17], %select_n3A {strides = array<i32>} : memref<8192x64xf32, #tpu.memory_space<vmem>>, vector<8192x64xf32>,
    %get3A_19 = arith.constant 0 : index
    %get3A_20 = arith.constant 0 : index
    %get3A_21 = vector.load %arg10[%get3A_19, %get3A_20] : memref<8192x64xf32, #tpu.memory_space<vmem>>, vector<8192x64xf32>
    %get3A_22 = arith.constant 4 : index
    %get3A_23 = arith.constant 0 : index
    %get3A_24 = arith.constant 0 : index
    %get3A_25 = vector.load %arg4[%get3A_22, %get3A_23, %get3A_24] : memref<9x64x256xf32, #tpu.memory_space<vmem>>, vector<1x64x256xf32>
    %get3A_26 = vector.shape_cast %get3A_25 : vector<1x64x256xf32> to vector<64x256xf32>
    %dot_general3A = arith.constant dense<0.000000e+00> : vector<8192x256xf32>
    %dot_general3A_27 = tpu.matmul %get3A_21, %get3A_26, %dot_general3A {dimension_numbers = #tpu.dot_dimension_numbers<[1], [0], [0], [1], [0, 0, 1, 1], [], []>, transpose_lhs_hint = false} : vector<8192x64xf32>, vector<64x256xf32>, vector<8192x256xf32> -> vector<8192x256xf32>
    %get3A_28 = arith.constant 0 : index
    %get3A_29 = arith.constant 0 : index
    %get3A_30 = vector.load %arg5[%get3A_28, %get3A_29] : memref<1x256xf32, #tpu.memory_space<vmem>>, vector<1x256xf32>
    %add3A_31 = vector.broadcast %get3A_30 : vector<1x256xf32> to vector<8192x256xf32>
    %add3A_32 = arith.addf %dot_general3A_27, %add3A_31 : vector<8192x256xf32>
    %swap3A_33 = arith.constant 0 : index
    %swap3A_34 = arith.constant 0 : index
    %swap3A_35 = vector.load %arg9[%swap3A_33, %swap3A_34] : memref<8192x256xf32, #tpu.memory_space<vmem>>, vector<8192x256xf32>
    tpu.vector_store %arg9[%swap3A_33, %swap3A_34], %add3A_32 {strides = array<i32>} : memref<8192x256xf32, #tpu.memory_space<vmem>>, vector<8192x256xf32>,
    %get3A_36 = arith.constant 0 : index
    %get3A_37 = memref.load %arg7[%get3A_36] : memref<1xi32, #tpu.memory_space<smem>>
    %while3A = arith.constant 0 : i32
    %while3A_38 = arith.constant 0 : i32
    %while3A_39 = arith.subi %get3A_37, %while3A_38 : i32
    %while3A_40 = arith.addi %while3A_38, %while3A_39 : i32
    %while3A_41 = arith.constant 1 : i32
    %while3A_42 = arith.divsi %while3A_39, %while3A_41 : i32
    %while3A_43 = arith.muli %while3A_42, %while3A_41 : i32
    %while3A_44 = arith.addi %while3A_38, %while3A_43 : i32
    %while3A_45 = arith.constant 1 : i32
    scf.for %while3A_61 = %while3A_38 to %while3A_44 step %while3A_45  : i32 {
      %get3A_62 = arith.index_cast %while3A_61 : i32 to index
      %get3A_63 = memref.load %arg8[%get3A_62] : memref<81928xi32, #tpu.memory_space<smem>>
      %and3A = arith.constant 8191 : i32
      %and3A_64 = arith.andi %get3A_63, %and3A : i32
      %shift_right_arithmetic3A = arith.constant 13 : i32
      %shift_right_arithmetic3A_65 = arith.shrsi %get3A_63, %shift_right_arithmetic3A : i32
      %and3A_66 = arith.constant 8191 : i32
      %and3A_67 = arith.andi %shift_right_arithmetic3A_65, %and3A_66 : i32
      %shift_right_arithmetic3A_68 = arith.constant 26 : i32
      %shift_right_arithmetic3A_69 = arith.shrsi %get3A_63, %shift_right_arithmetic3A_68 : i32
      %ge3A_70 = arith.constant 9 : i32
      %ge3A_71 = arith.cmpi sge, %shift_right_arithmetic3A_69, %ge3A_70 : i32
      %sub3A = arith.constant 9 : i32
      %sub3A_72 = arith.subi %shift_right_arithmetic3A_69, %sub3A : i32
      %select_n3A_73 = arith.select %ge3A_71, %sub3A_72, %shift_right_arithmetic3A_69 : i32
      %jit3A = arith.constant -1.000000e+00 : f32
      %jit3A_74 = arith.constant 1.000000e+00 : f32
      %select_n3A_75 = arith.select %ge3A_71, %jit3A, %jit3A_74 : f32
      %get3A_76 = arith.index_cast %and3A_67 : i32 to index
      %get3A_77 = arith.constant 0 : index
      %get3A_78 = vector.load %arg10[%get3A_76, %get3A_77] : memref<8192x64xf32, #tpu.memory_space<vmem>>, vector<1x64xf32>
      %get3A_79 = arith.index_cast %select_n3A_73 : i32 to index
      %get3A_80 = arith.constant 0 : index
      %get3A_81 = arith.constant 0 : index
      %get3A_82 = vector.load %arg4[%get3A_79, %get3A_80, %get3A_81] : memref<9x64x256xf32, #tpu.memory_space<vmem>>, vector<1x64x256xf32>
      %get3A_83 = vector.shape_cast %get3A_82 : vector<1x64x256xf32> to vector<64x256xf32>
      %dot_general3A_84 = arith.constant dense<0.000000e+00> : vector<1x256xf32>
      %dot_general3A_85 = tpu.matmul %get3A_78, %get3A_83, %dot_general3A_84 {dimension_numbers = #tpu.dot_dimension_numbers<[1], [0], [0], [1], [0, 0, 1, 1], [], []>, transpose_lhs_hint = false} : vector<1x64xf32>, vector<64x256xf32>, vector<1x256xf32> -> vector<1x256xf32>
      %get3A_86 = arith.index_cast %and3A_64 : i32 to index
      %get3A_87 = arith.constant 0 : index
      %get3A_88 = vector.load %arg9[%get3A_86, %get3A_87] : memref<8192x256xf32, #tpu.memory_space<vmem>>, vector<1x256xf32>
      %mul3A_89 = vector.broadcast %select_n3A_75 : f32 to vector<1x256xf32>
      %mul3A_90 = arith.mulf %mul3A_89, %dot_general3A_85 : vector<1x256xf32>
      %add3A_91 = arith.addf %get3A_88, %mul3A_90 : vector<1x256xf32>
      %swap3A_92 = arith.index_cast %and3A_64 : i32 to index
      %swap3A_93 = arith.constant 0 : index
      %swap3A_94 = vector.load %arg9[%swap3A_92, %swap3A_93] : memref<8192x256xf32, #tpu.memory_space<vmem>>, vector<1x256xf32>
      tpu.vector_store %arg9[%swap3A_92, %swap3A_93], %add3A_91 {strides = array<i32>} : memref<8192x256xf32, #tpu.memory_space<vmem>>, vector<1x256xf32>,
    }
    %while3A_46 = arith.constant 1 : i32
    scf.for %while3A_61 = %while3A_44 to %while3A_40 step %while3A_46  : i32 {
      %get3A_62 = arith.index_cast %while3A_61 : i32 to index
      %get3A_63 = memref.load %arg8[%get3A_62] : memref<81928xi32, #tpu.memory_space<smem>>
      %and3A = arith.constant 8191 : i32
      %and3A_64 = arith.andi %get3A_63, %and3A : i32
      %shift_right_arithmetic3A = arith.constant 13 : i32
      %shift_right_arithmetic3A_65 = arith.shrsi %get3A_63, %shift_right_arithmetic3A : i32
      %and3A_66 = arith.constant 8191 : i32
      %and3A_67 = arith.andi %shift_right_arithmetic3A_65, %and3A_66 : i32
      %shift_right_arithmetic3A_68 = arith.constant 26 : i32
      %shift_right_arithmetic3A_69 = arith.shrsi %get3A_63, %shift_right_arithmetic3A_68 : i32
      %ge3A_70 = arith.constant 9 : i32
      %ge3A_71 = arith.cmpi sge, %shift_right_arithmetic3A_69, %ge3A_70 : i32
      %sub3A = arith.constant 9 : i32
      %sub3A_72 = arith.subi %shift_right_arithmetic3A_69, %sub3A : i32
      %select_n3A_73 = arith.select %ge3A_71, %sub3A_72, %shift_right_arithmetic3A_69 : i32
      %jit3A = arith.constant -1.000000e+00 : f32
      %jit3A_74 = arith.constant 1.000000e+00 : f32
      %select_n3A_75 = arith.select %ge3A_71, %jit3A, %jit3A_74 : f32
      %get3A_76 = arith.index_cast %and3A_67 : i32 to index
      %get3A_77 = arith.constant 0 : index
      %get3A_78 = vector.load %arg10[%get3A_76, %get3A_77] : memref<8192x64xf32, #tpu.memory_space<vmem>>, vector<1x64xf32>
      %get3A_79 = arith.index_cast %select_n3A_73 : i32 to index
      %get3A_80 = arith.constant 0 : index
      %get3A_81 = arith.constant 0 : index
      %get3A_82 = vector.load %arg4[%get3A_79, %get3A_80, %get3A_81] : memref<9x64x256xf32, #tpu.memory_space<vmem>>, vector<1x64x256xf32>
      %get3A_83 = vector.shape_cast %get3A_82 : vector<1x64x256xf32> to vector<64x256xf32>
      %dot_general3A_84 = arith.constant dense<0.000000e+00> : vector<1x256xf32>
      %dot_general3A_85 = tpu.matmul %get3A_78, %get3A_83, %dot_general3A_84 {dimension_numbers = #tpu.dot_dimension_numbers<[1], [0], [0], [1], [0, 0, 1, 1], [], []>, transpose_lhs_hint = false} : vector<1x64xf32>, vector<64x256xf32>, vector<1x256xf32> -> vector<1x256xf32>
      %get3A_86 = arith.index_cast %and3A_64 : i32 to index
      %get3A_87 = arith.constant 0 : index
      %get3A_88 = vector.load %arg9[%get3A_86, %get3A_87] : memref<8192x256xf32, #tpu.memory_space<vmem>>, vector<1x256xf32>
      %mul3A_89 = vector.broadcast %select_n3A_75 : f32 to vector<1x256xf32>
      %mul3A_90 = arith.mulf %mul3A_89, %dot_general3A_85 : vector<1x256xf32>
      %add3A_91 = arith.addf %get3A_88, %mul3A_90 : vector<1x256xf32>
      %swap3A_92 = arith.index_cast %and3A_64 : i32 to index
      %swap3A_93 = arith.constant 0 : index
      %swap3A_94 = vector.load %arg9[%swap3A_92, %swap3A_93] : memref<8192x256xf32, #tpu.memory_space<vmem>>, vector<1x256xf32>
      tpu.vector_store %arg9[%swap3A_92, %swap3A_93], %add3A_91 {strides = array<i32>} : memref<8192x256xf32, #tpu.memory_space<vmem>>, vector<1x256xf32>,
    }
    %get3A_47 = arith.constant 0 : index
    %get3A_48 = memref.load %arg6[%get3A_47] : memref<1xf32, #tpu.memory_space<smem>>
    %get3A_49 = arith.constant 0 : index
    %get3A_50 = arith.constant 0 : index
    %get3A_51 = vector.load %arg9[%get3A_49, %get3A_50] : memref<8192x256xf32, #tpu.memory_space<vmem>>, vector<8192x256xf32>
    %ge3A_52 = arith.constant 0.000000e+00 : f32
    %ge3A_53 = vector.broadcast %ge3A_52 : f32 to vector<8192x256xf32>
    %ge3A_54 = arith.cmpf oge, %get3A_51, %ge3A_53 : vector<8192x256xf32>
    %mul3A_55 = vector.broadcast %get3A_48 : f32 to vector<8192x256xf32>
    %mul3A_56 = arith.mulf %mul3A_55, %get3A_51 : vector<8192x256xf32>
    %select_n3A_57 = arith.select %ge3A_54, %get3A_51, %mul3A_56 : vector<8192x256xi1>, vector<8192x256xf32>
    %swap3A_58 = arith.constant 0 : index
    %swap3A_59 = arith.constant 0 : index
    %swap3A_60 = vector.load %arg9[%swap3A_58, %swap3A_59] : memref<8192x256xf32, #tpu.memory_space<vmem>>, vector<8192x256xf32>
    tpu.vector_store %arg9[%swap3A_58, %swap3A_59], %select_n3A_57 {strides = array<i32>} : memref<8192x256xf32, #tpu.memory_space<vmem>>, vector<8192x256xf32>,
    return
  }
}

module attributes {stable_mosaic.version = 14 : i64} {
  func.func @_conv_body(%arg0: memref<8192x256xf32, #tpu.memory_space<vmem>>, %arg1: memref<9x256x512xf32, #tpu.memory_space<vmem>>, %arg2: memref<1x512xf32, #tpu.memory_space<vmem>>, %arg3: memref<1xf32, #tpu.memory_space<smem>>, %arg4: memref<1xi32, #tpu.memory_space<smem>>, %arg5: memref<81928xi32, #tpu.memory_space<smem>>, %arg6: memref<8192x512xf32, #tpu.memory_space<vmem>>) attributes {dimension_semantics = [], scalar_prefetch = 0 : i64, scratch_operands = 0 : i64, tpu.core_type = #tpu.core_type<tc>} {
    %get3A = arith.constant 0 : index
    %get3A_0 = arith.constant 0 : index
    %get3A_1 = vector.load %arg0[%get3A, %get3A_0] : memref<8192x256xf32, #tpu.memory_space<vmem>>, vector<8192x256xf32>
    %get3A_2 = arith.constant 4 : index
    %get3A_3 = arith.constant 0 : index
    %get3A_4 = arith.constant 0 : index
    %get3A_5 = vector.load %arg1[%get3A_2, %get3A_3, %get3A_4] : memref<9x256x512xf32, #tpu.memory_space<vmem>>, vector<1x256x512xf32>
    %get3A_6 = vector.shape_cast %get3A_5 : vector<1x256x512xf32> to vector<256x512xf32>
    %dot_general3A = arith.constant dense<0.000000e+00> : vector<8192x512xf32>
    %dot_general3A_7 = tpu.matmul %get3A_1, %get3A_6, %dot_general3A {dimension_numbers = #tpu.dot_dimension_numbers<[1], [0], [0], [1], [0, 0, 1, 1], [], []>, transpose_lhs_hint = false} : vector<8192x256xf32>, vector<256x512xf32>, vector<8192x512xf32> -> vector<8192x512xf32>
    %get3A_8 = arith.constant 0 : index
    %get3A_9 = arith.constant 0 : index
    %get3A_10 = vector.load %arg2[%get3A_8, %get3A_9] : memref<1x512xf32, #tpu.memory_space<vmem>>, vector<1x512xf32>
    %add3A = vector.broadcast %get3A_10 : vector<1x512xf32> to vector<8192x512xf32>
    %add3A_11 = arith.addf %dot_general3A_7, %add3A : vector<8192x512xf32>
    %swap3A = arith.constant 0 : index
    %swap3A_12 = arith.constant 0 : index
    %swap3A_13 = vector.load %arg6[%swap3A, %swap3A_12] : memref<8192x512xf32, #tpu.memory_space<vmem>>, vector<8192x512xf32>
    tpu.vector_store %arg6[%swap3A, %swap3A_12], %add3A_11 {strides = array<i32>} : memref<8192x512xf32, #tpu.memory_space<vmem>>, vector<8192x512xf32>,
    %get3A_14 = arith.constant 0 : index
    %get3A_15 = memref.load %arg4[%get3A_14] : memref<1xi32, #tpu.memory_space<smem>>
    %while3A = arith.constant 0 : i32
    %while3A_16 = arith.constant 0 : i32
    %while3A_17 = arith.subi %get3A_15, %while3A_16 : i32
    %while3A_18 = arith.addi %while3A_16, %while3A_17 : i32
    %while3A_19 = arith.constant 1 : i32
    %while3A_20 = arith.divsi %while3A_17, %while3A_19 : i32
    %while3A_21 = arith.muli %while3A_20, %while3A_19 : i32
    %while3A_22 = arith.addi %while3A_16, %while3A_21 : i32
    %while3A_23 = arith.constant 1 : i32
    scf.for %while3A_36 = %while3A_16 to %while3A_22 step %while3A_23  : i32 {
      %get3A_37 = arith.index_cast %while3A_36 : i32 to index
      %get3A_38 = memref.load %arg5[%get3A_37] : memref<81928xi32, #tpu.memory_space<smem>>
      %and3A = arith.constant 8191 : i32
      %and3A_39 = arith.andi %get3A_38, %and3A : i32
      %shift_right_arithmetic3A = arith.constant 13 : i32
      %shift_right_arithmetic3A_40 = arith.shrsi %get3A_38, %shift_right_arithmetic3A : i32
      %and3A_41 = arith.constant 8191 : i32
      %and3A_42 = arith.andi %shift_right_arithmetic3A_40, %and3A_41 : i32
      %shift_right_arithmetic3A_43 = arith.constant 26 : i32
      %shift_right_arithmetic3A_44 = arith.shrsi %get3A_38, %shift_right_arithmetic3A_43 : i32
      %ge3A_45 = arith.constant 9 : i32
      %ge3A_46 = arith.cmpi sge, %shift_right_arithmetic3A_44, %ge3A_45 : i32
      %sub3A = arith.constant 9 : i32
      %sub3A_47 = arith.subi %shift_right_arithmetic3A_44, %sub3A : i32
      %select_n3A_48 = arith.select %ge3A_46, %sub3A_47, %shift_right_arithmetic3A_44 : i32
      %jit3A = arith.constant -1.000000e+00 : f32
      %jit3A_49 = arith.constant 1.000000e+00 : f32
      %select_n3A_50 = arith.select %ge3A_46, %jit3A, %jit3A_49 : f32
      %get3A_51 = arith.index_cast %and3A_42 : i32 to index
      %get3A_52 = arith.constant 0 : index
      %get3A_53 = vector.load %arg0[%get3A_51, %get3A_52] : memref<8192x256xf32, #tpu.memory_space<vmem>>, vector<1x256xf32>
      %get3A_54 = arith.index_cast %select_n3A_48 : i32 to index
      %get3A_55 = arith.constant 0 : index
      %get3A_56 = arith.constant 0 : index
      %get3A_57 = vector.load %arg1[%get3A_54, %get3A_55, %get3A_56] : memref<9x256x512xf32, #tpu.memory_space<vmem>>, vector<1x256x512xf32>
      %get3A_58 = vector.shape_cast %get3A_57 : vector<1x256x512xf32> to vector<256x512xf32>
      %dot_general3A_59 = arith.constant dense<0.000000e+00> : vector<1x512xf32>
      %dot_general3A_60 = tpu.matmul %get3A_53, %get3A_58, %dot_general3A_59 {dimension_numbers = #tpu.dot_dimension_numbers<[1], [0], [0], [1], [0, 0, 1, 1], [], []>, transpose_lhs_hint = false} : vector<1x256xf32>, vector<256x512xf32>, vector<1x512xf32> -> vector<1x512xf32>
      %get3A_61 = arith.index_cast %and3A_39 : i32 to index
      %get3A_62 = arith.constant 0 : index
      %get3A_63 = vector.load %arg6[%get3A_61, %get3A_62] : memref<8192x512xf32, #tpu.memory_space<vmem>>, vector<1x512xf32>
      %mul3A_64 = vector.broadcast %select_n3A_50 : f32 to vector<1x512xf32>
      %mul3A_65 = arith.mulf %mul3A_64, %dot_general3A_60 : vector<1x512xf32>
      %add3A_66 = arith.addf %get3A_63, %mul3A_65 : vector<1x512xf32>
      %swap3A_67 = arith.index_cast %and3A_39 : i32 to index
      %swap3A_68 = arith.constant 0 : index
      %swap3A_69 = vector.load %arg6[%swap3A_67, %swap3A_68] : memref<8192x512xf32, #tpu.memory_space<vmem>>, vector<1x512xf32>
      tpu.vector_store %arg6[%swap3A_67, %swap3A_68], %add3A_66 {strides = array<i32>} : memref<8192x512xf32, #tpu.memory_space<vmem>>, vector<1x512xf32>,
    }
    %while3A_24 = arith.constant 1 : i32
    scf.for %while3A_36 = %while3A_22 to %while3A_18 step %while3A_24  : i32 {
      %get3A_37 = arith.index_cast %while3A_36 : i32 to index
      %get3A_38 = memref.load %arg5[%get3A_37] : memref<81928xi32, #tpu.memory_space<smem>>
      %and3A = arith.constant 8191 : i32
      %and3A_39 = arith.andi %get3A_38, %and3A : i32
      %shift_right_arithmetic3A = arith.constant 13 : i32
      %shift_right_arithmetic3A_40 = arith.shrsi %get3A_38, %shift_right_arithmetic3A : i32
      %and3A_41 = arith.constant 8191 : i32
      %and3A_42 = arith.andi %shift_right_arithmetic3A_40, %and3A_41 : i32
      %shift_right_arithmetic3A_43 = arith.constant 26 : i32
      %shift_right_arithmetic3A_44 = arith.shrsi %get3A_38, %shift_right_arithmetic3A_43 : i32
      %ge3A_45 = arith.constant 9 : i32
      %ge3A_46 = arith.cmpi sge, %shift_right_arithmetic3A_44, %ge3A_45 : i32
      %sub3A = arith.constant 9 : i32
      %sub3A_47 = arith.subi %shift_right_arithmetic3A_44, %sub3A : i32
      %select_n3A_48 = arith.select %ge3A_46, %sub3A_47, %shift_right_arithmetic3A_44 : i32
      %jit3A = arith.constant -1.000000e+00 : f32
      %jit3A_49 = arith.constant 1.000000e+00 : f32
      %select_n3A_50 = arith.select %ge3A_46, %jit3A, %jit3A_49 : f32
      %get3A_51 = arith.index_cast %and3A_42 : i32 to index
      %get3A_52 = arith.constant 0 : index
      %get3A_53 = vector.load %arg0[%get3A_51, %get3A_52] : memref<8192x256xf32, #tpu.memory_space<vmem>>, vector<1x256xf32>
      %get3A_54 = arith.index_cast %select_n3A_48 : i32 to index
      %get3A_55 = arith.constant 0 : index
      %get3A_56 = arith.constant 0 : index
      %get3A_57 = vector.load %arg1[%get3A_54, %get3A_55, %get3A_56] : memref<9x256x512xf32, #tpu.memory_space<vmem>>, vector<1x256x512xf32>
      %get3A_58 = vector.shape_cast %get3A_57 : vector<1x256x512xf32> to vector<256x512xf32>
      %dot_general3A_59 = arith.constant dense<0.000000e+00> : vector<1x512xf32>
      %dot_general3A_60 = tpu.matmul %get3A_53, %get3A_58, %dot_general3A_59 {dimension_numbers = #tpu.dot_dimension_numbers<[1], [0], [0], [1], [0, 0, 1, 1], [], []>, transpose_lhs_hint = false} : vector<1x256xf32>, vector<256x512xf32>, vector<1x512xf32> -> vector<1x512xf32>
      %get3A_61 = arith.index_cast %and3A_39 : i32 to index
      %get3A_62 = arith.constant 0 : index
      %get3A_63 = vector.load %arg6[%get3A_61, %get3A_62] : memref<8192x512xf32, #tpu.memory_space<vmem>>, vector<1x512xf32>
      %mul3A_64 = vector.broadcast %select_n3A_50 : f32 to vector<1x512xf32>
      %mul3A_65 = arith.mulf %mul3A_64, %dot_general3A_60 : vector<1x512xf32>
      %add3A_66 = arith.addf %get3A_63, %mul3A_65 : vector<1x512xf32>
      %swap3A_67 = arith.index_cast %and3A_39 : i32 to index
      %swap3A_68 = arith.constant 0 : index
      %swap3A_69 = vector.load %arg6[%swap3A_67, %swap3A_68] : memref<8192x512xf32, #tpu.memory_space<vmem>>, vector<1x512xf32>
      tpu.vector_store %arg6[%swap3A_67, %swap3A_68], %add3A_66 {strides = array<i32>} : memref<8192x512xf32, #tpu.memory_space<vmem>>, vector<1x512xf32>,
    }
    %get3A_25 = arith.constant 0 : index
    %get3A_26 = memref.load %arg3[%get3A_25] : memref<1xf32, #tpu.memory_space<smem>>
    %get3A_27 = arith.constant 0 : index
    %get3A_28 = arith.constant 0 : index
    %get3A_29 = vector.load %arg6[%get3A_27, %get3A_28] : memref<8192x512xf32, #tpu.memory_space<vmem>>, vector<8192x512xf32>
    %ge3A = arith.constant 0.000000e+00 : f32
    %ge3A_30 = vector.broadcast %ge3A : f32 to vector<8192x512xf32>
    %ge3A_31 = arith.cmpf oge, %get3A_29, %ge3A_30 : vector<8192x512xf32>
    %mul3A = vector.broadcast %get3A_26 : f32 to vector<8192x512xf32>
    %mul3A_32 = arith.mulf %mul3A, %get3A_29 : vector<8192x512xf32>
    %select_n3A = arith.select %ge3A_31, %get3A_29, %mul3A_32 : vector<8192x512xi1>, vector<8192x512xf32>
    %swap3A_33 = arith.constant 0 : index
    %swap3A_34 = arith.constant 0 : index
    %swap3A_35 = vector.load %arg6[%swap3A_33, %swap3A_34] : memref<8192x512xf32, #tpu.memory_space<vmem>>, vector<8192x512xf32>
    tpu.vector_store %arg6[%swap3A_33, %swap3A_34], %select_n3A {strides = array<i32>} : memref<8192x512xf32, #tpu.memory_space<vmem>>, vector<8192x512xf32>,
    return
  }
}

module attributes {stable_mosaic.version = 14 : i64} {
  func.func @_conv_body(%arg0: memref<8192x512xf32, #tpu.memory_space<vmem>>, %arg1: memref<9x512x256xf32, #tpu.memory_space<vmem>>, %arg2: memref<1x256xf32, #tpu.memory_space<vmem>>, %arg3: memref<1xf32, #tpu.memory_space<smem>>, %arg4: memref<1xi32, #tpu.memory_space<smem>>, %arg5: memref<81928xi32, #tpu.memory_space<smem>>, %arg6: memref<8192x256xf32, #tpu.memory_space<vmem>>) attributes {dimension_semantics = [], scalar_prefetch = 0 : i64, scratch_operands = 0 : i64, tpu.core_type = #tpu.core_type<tc>} {
    %get3A = arith.constant 0 : index
    %get3A_0 = arith.constant 0 : index
    %get3A_1 = vector.load %arg0[%get3A, %get3A_0] : memref<8192x512xf32, #tpu.memory_space<vmem>>, vector<8192x512xf32>
    %get3A_2 = arith.constant 4 : index
    %get3A_3 = arith.constant 0 : index
    %get3A_4 = arith.constant 0 : index
    %get3A_5 = vector.load %arg1[%get3A_2, %get3A_3, %get3A_4] : memref<9x512x256xf32, #tpu.memory_space<vmem>>, vector<1x512x256xf32>
    %get3A_6 = vector.shape_cast %get3A_5 : vector<1x512x256xf32> to vector<512x256xf32>
    %dot_general3A = arith.constant dense<0.000000e+00> : vector<8192x256xf32>
    %dot_general3A_7 = tpu.matmul %get3A_1, %get3A_6, %dot_general3A {dimension_numbers = #tpu.dot_dimension_numbers<[1], [0], [0], [1], [0, 0, 1, 1], [], []>, transpose_lhs_hint = false} : vector<8192x512xf32>, vector<512x256xf32>, vector<8192x256xf32> -> vector<8192x256xf32>
    %get3A_8 = arith.constant 0 : index
    %get3A_9 = arith.constant 0 : index
    %get3A_10 = vector.load %arg2[%get3A_8, %get3A_9] : memref<1x256xf32, #tpu.memory_space<vmem>>, vector<1x256xf32>
    %add3A = vector.broadcast %get3A_10 : vector<1x256xf32> to vector<8192x256xf32>
    %add3A_11 = arith.addf %dot_general3A_7, %add3A : vector<8192x256xf32>
    %swap3A = arith.constant 0 : index
    %swap3A_12 = arith.constant 0 : index
    %swap3A_13 = vector.load %arg6[%swap3A, %swap3A_12] : memref<8192x256xf32, #tpu.memory_space<vmem>>, vector<8192x256xf32>
    tpu.vector_store %arg6[%swap3A, %swap3A_12], %add3A_11 {strides = array<i32>} : memref<8192x256xf32, #tpu.memory_space<vmem>>, vector<8192x256xf32>,
    %get3A_14 = arith.constant 0 : index
    %get3A_15 = memref.load %arg4[%get3A_14] : memref<1xi32, #tpu.memory_space<smem>>
    %while3A = arith.constant 0 : i32
    %while3A_16 = arith.constant 0 : i32
    %while3A_17 = arith.subi %get3A_15, %while3A_16 : i32
    %while3A_18 = arith.addi %while3A_16, %while3A_17 : i32
    %while3A_19 = arith.constant 1 : i32
    %while3A_20 = arith.divsi %while3A_17, %while3A_19 : i32
    %while3A_21 = arith.muli %while3A_20, %while3A_19 : i32
    %while3A_22 = arith.addi %while3A_16, %while3A_21 : i32
    %while3A_23 = arith.constant 1 : i32
    scf.for %while3A_36 = %while3A_16 to %while3A_22 step %while3A_23  : i32 {
      %get3A_37 = arith.index_cast %while3A_36 : i32 to index
      %get3A_38 = memref.load %arg5[%get3A_37] : memref<81928xi32, #tpu.memory_space<smem>>
      %and3A = arith.constant 8191 : i32
      %and3A_39 = arith.andi %get3A_38, %and3A : i32
      %shift_right_arithmetic3A = arith.constant 13 : i32
      %shift_right_arithmetic3A_40 = arith.shrsi %get3A_38, %shift_right_arithmetic3A : i32
      %and3A_41 = arith.constant 8191 : i32
      %and3A_42 = arith.andi %shift_right_arithmetic3A_40, %and3A_41 : i32
      %shift_right_arithmetic3A_43 = arith.constant 26 : i32
      %shift_right_arithmetic3A_44 = arith.shrsi %get3A_38, %shift_right_arithmetic3A_43 : i32
      %ge3A_45 = arith.constant 9 : i32
      %ge3A_46 = arith.cmpi sge, %shift_right_arithmetic3A_44, %ge3A_45 : i32
      %sub3A = arith.constant 9 : i32
      %sub3A_47 = arith.subi %shift_right_arithmetic3A_44, %sub3A : i32
      %select_n3A_48 = arith.select %ge3A_46, %sub3A_47, %shift_right_arithmetic3A_44 : i32
      %jit3A = arith.constant -1.000000e+00 : f32
      %jit3A_49 = arith.constant 1.000000e+00 : f32
      %select_n3A_50 = arith.select %ge3A_46, %jit3A, %jit3A_49 : f32
      %get3A_51 = arith.index_cast %and3A_42 : i32 to index
      %get3A_52 = arith.constant 0 : index
      %get3A_53 = vector.load %arg0[%get3A_51, %get3A_52] : memref<8192x512xf32, #tpu.memory_space<vmem>>, vector<1x512xf32>
      %get3A_54 = arith.index_cast %select_n3A_48 : i32 to index
      %get3A_55 = arith.constant 0 : index
      %get3A_56 = arith.constant 0 : index
      %get3A_57 = vector.load %arg1[%get3A_54, %get3A_55, %get3A_56] : memref<9x512x256xf32, #tpu.memory_space<vmem>>, vector<1x512x256xf32>
      %get3A_58 = vector.shape_cast %get3A_57 : vector<1x512x256xf32> to vector<512x256xf32>
      %dot_general3A_59 = arith.constant dense<0.000000e+00> : vector<1x256xf32>
      %dot_general3A_60 = tpu.matmul %get3A_53, %get3A_58, %dot_general3A_59 {dimension_numbers = #tpu.dot_dimension_numbers<[1], [0], [0], [1], [0, 0, 1, 1], [], []>, transpose_lhs_hint = false} : vector<1x512xf32>, vector<512x256xf32>, vector<1x256xf32> -> vector<1x256xf32>
      %get3A_61 = arith.index_cast %and3A_39 : i32 to index
      %get3A_62 = arith.constant 0 : index
      %get3A_63 = vector.load %arg6[%get3A_61, %get3A_62] : memref<8192x256xf32, #tpu.memory_space<vmem>>, vector<1x256xf32>
      %mul3A_64 = vector.broadcast %select_n3A_50 : f32 to vector<1x256xf32>
      %mul3A_65 = arith.mulf %mul3A_64, %dot_general3A_60 : vector<1x256xf32>
      %add3A_66 = arith.addf %get3A_63, %mul3A_65 : vector<1x256xf32>
      %swap3A_67 = arith.index_cast %and3A_39 : i32 to index
      %swap3A_68 = arith.constant 0 : index
      %swap3A_69 = vector.load %arg6[%swap3A_67, %swap3A_68] : memref<8192x256xf32, #tpu.memory_space<vmem>>, vector<1x256xf32>
      tpu.vector_store %arg6[%swap3A_67, %swap3A_68], %add3A_66 {strides = array<i32>} : memref<8192x256xf32, #tpu.memory_space<vmem>>, vector<1x256xf32>,
    }
    %while3A_24 = arith.constant 1 : i32
    scf.for %while3A_36 = %while3A_22 to %while3A_18 step %while3A_24  : i32 {
      %get3A_37 = arith.index_cast %while3A_36 : i32 to index
      %get3A_38 = memref.load %arg5[%get3A_37] : memref<81928xi32, #tpu.memory_space<smem>>
      %and3A = arith.constant 8191 : i32
      %and3A_39 = arith.andi %get3A_38, %and3A : i32
      %shift_right_arithmetic3A = arith.constant 13 : i32
      %shift_right_arithmetic3A_40 = arith.shrsi %get3A_38, %shift_right_arithmetic3A : i32
      %and3A_41 = arith.constant 8191 : i32
      %and3A_42 = arith.andi %shift_right_arithmetic3A_40, %and3A_41 : i32
      %shift_right_arithmetic3A_43 = arith.constant 26 : i32
      %shift_right_arithmetic3A_44 = arith.shrsi %get3A_38, %shift_right_arithmetic3A_43 : i32
      %ge3A_45 = arith.constant 9 : i32
      %ge3A_46 = arith.cmpi sge, %shift_right_arithmetic3A_44, %ge3A_45 : i32
      %sub3A = arith.constant 9 : i32
      %sub3A_47 = arith.subi %shift_right_arithmetic3A_44, %sub3A : i32
      %select_n3A_48 = arith.select %ge3A_46, %sub3A_47, %shift_right_arithmetic3A_44 : i32
      %jit3A = arith.constant -1.000000e+00 : f32
      %jit3A_49 = arith.constant 1.000000e+00 : f32
      %select_n3A_50 = arith.select %ge3A_46, %jit3A, %jit3A_49 : f32
      %get3A_51 = arith.index_cast %and3A_42 : i32 to index
      %get3A_52 = arith.constant 0 : index
      %get3A_53 = vector.load %arg0[%get3A_51, %get3A_52] : memref<8192x512xf32, #tpu.memory_space<vmem>>, vector<1x512xf32>
      %get3A_54 = arith.index_cast %select_n3A_48 : i32 to index
      %get3A_55 = arith.constant 0 : index
      %get3A_56 = arith.constant 0 : index
      %get3A_57 = vector.load %arg1[%get3A_54, %get3A_55, %get3A_56] : memref<9x512x256xf32, #tpu.memory_space<vmem>>, vector<1x512x256xf32>
      %get3A_58 = vector.shape_cast %get3A_57 : vector<1x512x256xf32> to vector<512x256xf32>
      %dot_general3A_59 = arith.constant dense<0.000000e+00> : vector<1x256xf32>
      %dot_general3A_60 = tpu.matmul %get3A_53, %get3A_58, %dot_general3A_59 {dimension_numbers = #tpu.dot_dimension_numbers<[1], [0], [0], [1], [0, 0, 1, 1], [], []>, transpose_lhs_hint = false} : vector<1x512xf32>, vector<512x256xf32>, vector<1x256xf32> -> vector<1x256xf32>
      %get3A_61 = arith.index_cast %and3A_39 : i32 to index
      %get3A_62 = arith.constant 0 : index
      %get3A_63 = vector.load %arg6[%get3A_61, %get3A_62] : memref<8192x256xf32, #tpu.memory_space<vmem>>, vector<1x256xf32>
      %mul3A_64 = vector.broadcast %select_n3A_50 : f32 to vector<1x256xf32>
      %mul3A_65 = arith.mulf %mul3A_64, %dot_general3A_60 : vector<1x256xf32>
      %add3A_66 = arith.addf %get3A_63, %mul3A_65 : vector<1x256xf32>
      %swap3A_67 = arith.index_cast %and3A_39 : i32 to index
      %swap3A_68 = arith.constant 0 : index
      %swap3A_69 = vector.load %arg6[%swap3A_67, %swap3A_68] : memref<8192x256xf32, #tpu.memory_space<vmem>>, vector<1x256xf32>
      tpu.vector_store %arg6[%swap3A_67, %swap3A_68], %add3A_66 {strides = array<i32>} : memref<8192x256xf32, #tpu.memory_space<vmem>>, vector<1x256xf32>,
    }
    %get3A_25 = arith.constant 0 : index
    %get3A_26 = memref.load %arg3[%get3A_25] : memref<1xf32, #tpu.memory_space<smem>>
    %get3A_27 = arith.constant 0 : index
    %get3A_28 = arith.constant 0 : index
    %get3A_29 = vector.load %arg6[%get3A_27, %get3A_28] : memref<8192x256xf32, #tpu.memory_space<vmem>>, vector<8192x256xf32>
    %ge3A = arith.constant 0.000000e+00 : f32
    %ge3A_30 = vector.broadcast %ge3A : f32 to vector<8192x256xf32>
    %ge3A_31 = arith.cmpf oge, %get3A_29, %ge3A_30 : vector<8192x256xf32>
    %mul3A = vector.broadcast %get3A_26 : f32 to vector<8192x256xf32>
    %mul3A_32 = arith.mulf %mul3A, %get3A_29 : vector<8192x256xf32>
    %select_n3A = arith.select %ge3A_31, %get3A_29, %mul3A_32 : vector<8192x256xi1>, vector<8192x256xf32>
    %swap3A_33 = arith.constant 0 : index
    %swap3A_34 = arith.constant 0 : index
    %swap3A_35 = vector.load %arg6[%swap3A_33, %swap3A_34] : memref<8192x256xf32, #tpu.memory_space<vmem>>, vector<8192x256xf32>
    tpu.vector_store %arg6[%swap3A_33, %swap3A_34], %select_n3A {strides = array<i32>} : memref<8192x256xf32, #tpu.memory_space<vmem>>, vector<8192x256xf32>,
    return
  }
}

module attributes {stable_mosaic.version = 14 : i64} {
  func.func @_conv_body(%arg0: memref<8192x256xf32, #tpu.memory_space<vmem>>, %arg1: memref<9x256x64xf32, #tpu.memory_space<vmem>>, %arg2: memref<1x64xf32, #tpu.memory_space<vmem>>, %arg3: memref<1xf32, #tpu.memory_space<smem>>, %arg4: memref<1xi32, #tpu.memory_space<smem>>, %arg5: memref<81928xi32, #tpu.memory_space<smem>>, %arg6: memref<8192x64xf32, #tpu.memory_space<vmem>>) attributes {dimension_semantics = [], scalar_prefetch = 0 : i64, scratch_operands = 0 : i64, tpu.core_type = #tpu.core_type<tc>} {
    %get3A = arith.constant 0 : index
    %get3A_0 = arith.constant 0 : index
    %get3A_1 = vector.load %arg0[%get3A, %get3A_0] : memref<8192x256xf32, #tpu.memory_space<vmem>>, vector<8192x256xf32>
    %get3A_2 = arith.constant 4 : index
    %get3A_3 = arith.constant 0 : index
    %get3A_4 = arith.constant 0 : index
    %get3A_5 = vector.load %arg1[%get3A_2, %get3A_3, %get3A_4] : memref<9x256x64xf32, #tpu.memory_space<vmem>>, vector<1x256x64xf32>
    %get3A_6 = vector.shape_cast %get3A_5 : vector<1x256x64xf32> to vector<256x64xf32>
    %dot_general3A = arith.constant dense<0.000000e+00> : vector<8192x64xf32>
    %dot_general3A_7 = tpu.matmul %get3A_1, %get3A_6, %dot_general3A {dimension_numbers = #tpu.dot_dimension_numbers<[1], [0], [0], [1], [0, 0, 1, 1], [], []>, transpose_lhs_hint = false} : vector<8192x256xf32>, vector<256x64xf32>, vector<8192x64xf32> -> vector<8192x64xf32>
    %get3A_8 = arith.constant 0 : index
    %get3A_9 = arith.constant 0 : index
    %get3A_10 = vector.load %arg2[%get3A_8, %get3A_9] : memref<1x64xf32, #tpu.memory_space<vmem>>, vector<1x64xf32>
    %add3A = vector.broadcast %get3A_10 : vector<1x64xf32> to vector<8192x64xf32>
    %add3A_11 = arith.addf %dot_general3A_7, %add3A : vector<8192x64xf32>
    %swap3A = arith.constant 0 : index
    %swap3A_12 = arith.constant 0 : index
    %swap3A_13 = vector.load %arg6[%swap3A, %swap3A_12] : memref<8192x64xf32, #tpu.memory_space<vmem>>, vector<8192x64xf32>
    tpu.vector_store %arg6[%swap3A, %swap3A_12], %add3A_11 {strides = array<i32>} : memref<8192x64xf32, #tpu.memory_space<vmem>>, vector<8192x64xf32>,
    %get3A_14 = arith.constant 0 : index
    %get3A_15 = memref.load %arg4[%get3A_14] : memref<1xi32, #tpu.memory_space<smem>>
    %while3A = arith.constant 0 : i32
    %while3A_16 = arith.constant 0 : i32
    %while3A_17 = arith.subi %get3A_15, %while3A_16 : i32
    %while3A_18 = arith.addi %while3A_16, %while3A_17 : i32
    %while3A_19 = arith.constant 1 : i32
    %while3A_20 = arith.divsi %while3A_17, %while3A_19 : i32
    %while3A_21 = arith.muli %while3A_20, %while3A_19 : i32
    %while3A_22 = arith.addi %while3A_16, %while3A_21 : i32
    %while3A_23 = arith.constant 1 : i32
    scf.for %while3A_36 = %while3A_16 to %while3A_22 step %while3A_23  : i32 {
      %get3A_37 = arith.index_cast %while3A_36 : i32 to index
      %get3A_38 = memref.load %arg5[%get3A_37] : memref<81928xi32, #tpu.memory_space<smem>>
      %and3A = arith.constant 8191 : i32
      %and3A_39 = arith.andi %get3A_38, %and3A : i32
      %shift_right_arithmetic3A = arith.constant 13 : i32
      %shift_right_arithmetic3A_40 = arith.shrsi %get3A_38, %shift_right_arithmetic3A : i32
      %and3A_41 = arith.constant 8191 : i32
      %and3A_42 = arith.andi %shift_right_arithmetic3A_40, %and3A_41 : i32
      %shift_right_arithmetic3A_43 = arith.constant 26 : i32
      %shift_right_arithmetic3A_44 = arith.shrsi %get3A_38, %shift_right_arithmetic3A_43 : i32
      %ge3A_45 = arith.constant 9 : i32
      %ge3A_46 = arith.cmpi sge, %shift_right_arithmetic3A_44, %ge3A_45 : i32
      %sub3A = arith.constant 9 : i32
      %sub3A_47 = arith.subi %shift_right_arithmetic3A_44, %sub3A : i32
      %select_n3A_48 = arith.select %ge3A_46, %sub3A_47, %shift_right_arithmetic3A_44 : i32
      %jit3A = arith.constant -1.000000e+00 : f32
      %jit3A_49 = arith.constant 1.000000e+00 : f32
      %select_n3A_50 = arith.select %ge3A_46, %jit3A, %jit3A_49 : f32
      %get3A_51 = arith.index_cast %and3A_42 : i32 to index
      %get3A_52 = arith.constant 0 : index
      %get3A_53 = vector.load %arg0[%get3A_51, %get3A_52] : memref<8192x256xf32, #tpu.memory_space<vmem>>, vector<1x256xf32>
      %get3A_54 = arith.index_cast %select_n3A_48 : i32 to index
      %get3A_55 = arith.constant 0 : index
      %get3A_56 = arith.constant 0 : index
      %get3A_57 = vector.load %arg1[%get3A_54, %get3A_55, %get3A_56] : memref<9x256x64xf32, #tpu.memory_space<vmem>>, vector<1x256x64xf32>
      %get3A_58 = vector.shape_cast %get3A_57 : vector<1x256x64xf32> to vector<256x64xf32>
      %dot_general3A_59 = arith.constant dense<0.000000e+00> : vector<1x64xf32>
      %dot_general3A_60 = tpu.matmul %get3A_53, %get3A_58, %dot_general3A_59 {dimension_numbers = #tpu.dot_dimension_numbers<[1], [0], [0], [1], [0, 0, 1, 1], [], []>, transpose_lhs_hint = false} : vector<1x256xf32>, vector<256x64xf32>, vector<1x64xf32> -> vector<1x64xf32>
      %get3A_61 = arith.index_cast %and3A_39 : i32 to index
      %get3A_62 = arith.constant 0 : index
      %get3A_63 = vector.load %arg6[%get3A_61, %get3A_62] : memref<8192x64xf32, #tpu.memory_space<vmem>>, vector<1x64xf32>
      %mul3A_64 = vector.broadcast %select_n3A_50 : f32 to vector<1x64xf32>
      %mul3A_65 = arith.mulf %mul3A_64, %dot_general3A_60 : vector<1x64xf32>
      %add3A_66 = arith.addf %get3A_63, %mul3A_65 : vector<1x64xf32>
      %swap3A_67 = arith.index_cast %and3A_39 : i32 to index
      %swap3A_68 = arith.constant 0 : index
      %swap3A_69 = vector.load %arg6[%swap3A_67, %swap3A_68] : memref<8192x64xf32, #tpu.memory_space<vmem>>, vector<1x64xf32>
      tpu.vector_store %arg6[%swap3A_67, %swap3A_68], %add3A_66 {strides = array<i32>} : memref<8192x64xf32, #tpu.memory_space<vmem>>, vector<1x64xf32>,
    }
    %while3A_24 = arith.constant 1 : i32
    scf.for %while3A_36 = %while3A_22 to %while3A_18 step %while3A_24  : i32 {
      %get3A_37 = arith.index_cast %while3A_36 : i32 to index
      %get3A_38 = memref.load %arg5[%get3A_37] : memref<81928xi32, #tpu.memory_space<smem>>
      %and3A = arith.constant 8191 : i32
      %and3A_39 = arith.andi %get3A_38, %and3A : i32
      %shift_right_arithmetic3A = arith.constant 13 : i32
      %shift_right_arithmetic3A_40 = arith.shrsi %get3A_38, %shift_right_arithmetic3A : i32
      %and3A_41 = arith.constant 8191 : i32
      %and3A_42 = arith.andi %shift_right_arithmetic3A_40, %and3A_41 : i32
      %shift_right_arithmetic3A_43 = arith.constant 26 : i32
      %shift_right_arithmetic3A_44 = arith.shrsi %get3A_38, %shift_right_arithmetic3A_43 : i32
      %ge3A_45 = arith.constant 9 : i32
      %ge3A_46 = arith.cmpi sge, %shift_right_arithmetic3A_44, %ge3A_45 : i32
      %sub3A = arith.constant 9 : i32
      %sub3A_47 = arith.subi %shift_right_arithmetic3A_44, %sub3A : i32
      %select_n3A_48 = arith.select %ge3A_46, %sub3A_47, %shift_right_arithmetic3A_44 : i32
      %jit3A = arith.constant -1.000000e+00 : f32
      %jit3A_49 = arith.constant 1.000000e+00 : f32
      %select_n3A_50 = arith.select %ge3A_46, %jit3A, %jit3A_49 : f32
      %get3A_51 = arith.index_cast %and3A_42 : i32 to index
      %get3A_52 = arith.constant 0 : index
      %get3A_53 = vector.load %arg0[%get3A_51, %get3A_52] : memref<8192x256xf32, #tpu.memory_space<vmem>>, vector<1x256xf32>
      %get3A_54 = arith.index_cast %select_n3A_48 : i32 to index
      %get3A_55 = arith.constant 0 : index
      %get3A_56 = arith.constant 0 : index
      %get3A_57 = vector.load %arg1[%get3A_54, %get3A_55, %get3A_56] : memref<9x256x64xf32, #tpu.memory_space<vmem>>, vector<1x256x64xf32>
      %get3A_58 = vector.shape_cast %get3A_57 : vector<1x256x64xf32> to vector<256x64xf32>
      %dot_general3A_59 = arith.constant dense<0.000000e+00> : vector<1x64xf32>
      %dot_general3A_60 = tpu.matmul %get3A_53, %get3A_58, %dot_general3A_59 {dimension_numbers = #tpu.dot_dimension_numbers<[1], [0], [0], [1], [0, 0, 1, 1], [], []>, transpose_lhs_hint = false} : vector<1x256xf32>, vector<256x64xf32>, vector<1x64xf32> -> vector<1x64xf32>
      %get3A_61 = arith.index_cast %and3A_39 : i32 to index
      %get3A_62 = arith.constant 0 : index
      %get3A_63 = vector.load %arg6[%get3A_61, %get3A_62] : memref<8192x64xf32, #tpu.memory_space<vmem>>, vector<1x64xf32>
      %mul3A_64 = vector.broadcast %select_n3A_50 : f32 to vector<1x64xf32>
      %mul3A_65 = arith.mulf %mul3A_64, %dot_general3A_60 : vector<1x64xf32>
      %add3A_66 = arith.addf %get3A_63, %mul3A_65 : vector<1x64xf32>
      %swap3A_67 = arith.index_cast %and3A_39 : i32 to index
      %swap3A_68 = arith.constant 0 : index
      %swap3A_69 = vector.load %arg6[%swap3A_67, %swap3A_68] : memref<8192x64xf32, #tpu.memory_space<vmem>>, vector<1x64xf32>
      tpu.vector_store %arg6[%swap3A_67, %swap3A_68], %add3A_66 {strides = array<i32>} : memref<8192x64xf32, #tpu.memory_space<vmem>>, vector<1x64xf32>,
    }
    %get3A_25 = arith.constant 0 : index
    %get3A_26 = memref.load %arg3[%get3A_25] : memref<1xf32, #tpu.memory_space<smem>>
    %get3A_27 = arith.constant 0 : index
    %get3A_28 = arith.constant 0 : index
    %get3A_29 = vector.load %arg6[%get3A_27, %get3A_28] : memref<8192x64xf32, #tpu.memory_space<vmem>>, vector<8192x64xf32>
    %ge3A = arith.constant 0.000000e+00 : f32
    %ge3A_30 = vector.broadcast %ge3A : f32 to vector<8192x64xf32>
    %ge3A_31 = arith.cmpf oge, %get3A_29, %ge3A_30 : vector<8192x64xf32>
    %mul3A = vector.broadcast %get3A_26 : f32 to vector<8192x64xf32>
    %mul3A_32 = arith.mulf %mul3A, %get3A_29 : vector<8192x64xf32>
    %select_n3A = arith.select %ge3A_31, %get3A_29, %mul3A_32 : vector<8192x64xi1>, vector<8192x64xf32>
    %swap3A_33 = arith.constant 0 : index
    %swap3A_34 = arith.constant 0 : index
    %swap3A_35 = vector.load %arg6[%swap3A_33, %swap3A_34] : memref<8192x64xf32, #tpu.memory_space<vmem>>, vector<8192x64xf32>
    tpu.vector_store %arg6[%swap3A_33, %swap3A_34], %select_n3A {strides = array<i32>} : memref<8192x64xf32, #tpu.memory_space<vmem>>, vector<8192x64xf32>,
    return
  }
}

module attributes {stable_mosaic.version = 14 : i64} {
  func.func @_conv_body(%arg0: memref<8192x64xf32, #tpu.memory_space<vmem>>, %arg1: memref<9x64x1xf32, #tpu.memory_space<vmem>>, %arg2: memref<1x1xf32, #tpu.memory_space<vmem>>, %arg3: memref<1xf32, #tpu.memory_space<smem>>, %arg4: memref<1xi32, #tpu.memory_space<smem>>, %arg5: memref<81928xi32, #tpu.memory_space<smem>>, %arg6: memref<8192x1xf32, #tpu.memory_space<vmem>>) attributes {dimension_semantics = [], scalar_prefetch = 0 : i64, scratch_operands = 0 : i64, tpu.core_type = #tpu.core_type<tc>} {
    %get3A = arith.constant 0 : index
    %get3A_0 = arith.constant 0 : index
    %get3A_1 = vector.load %arg0[%get3A, %get3A_0] : memref<8192x64xf32, #tpu.memory_space<vmem>>, vector<8192x64xf32>
    %get3A_2 = arith.constant 4 : index
    %get3A_3 = arith.constant 0 : index
    %get3A_4 = arith.constant 0 : index
    %get3A_5 = vector.load %arg1[%get3A_2, %get3A_3, %get3A_4] : memref<9x64x1xf32, #tpu.memory_space<vmem>>, vector<1x64x1xf32>
    %get3A_6 = vector.shape_cast %get3A_5 : vector<1x64x1xf32> to vector<64x1xf32>
    %dot_general3A = arith.constant dense<0.000000e+00> : vector<8192x1xf32>
    %dot_general3A_7 = tpu.matmul %get3A_1, %get3A_6, %dot_general3A {dimension_numbers = #tpu.dot_dimension_numbers<[1], [0], [0], [1], [0, 0, 1, 1], [], []>, transpose_lhs_hint = false} : vector<8192x64xf32>, vector<64x1xf32>, vector<8192x1xf32> -> vector<8192x1xf32>
    %get3A_8 = arith.constant 0 : index
    %get3A_9 = arith.constant 0 : index
    %get3A_10 = vector.load %arg2[%get3A_8, %get3A_9] : memref<1x1xf32, #tpu.memory_space<vmem>>, vector<1x1xf32>
    %add3A = vector.broadcast %get3A_10 : vector<1x1xf32> to vector<8192x1xf32>
    %add3A_11 = arith.addf %dot_general3A_7, %add3A : vector<8192x1xf32>
    %swap3A = arith.constant 0 : index
    %swap3A_12 = arith.constant 0 : index
    %swap3A_13 = vector.load %arg6[%swap3A, %swap3A_12] : memref<8192x1xf32, #tpu.memory_space<vmem>>, vector<8192x1xf32>
    tpu.vector_store %arg6[%swap3A, %swap3A_12], %add3A_11 {strides = array<i32>} : memref<8192x1xf32, #tpu.memory_space<vmem>>, vector<8192x1xf32>,
    %get3A_14 = arith.constant 0 : index
    %get3A_15 = memref.load %arg4[%get3A_14] : memref<1xi32, #tpu.memory_space<smem>>
    %while3A = arith.constant 0 : i32
    %while3A_16 = arith.constant 0 : i32
    %while3A_17 = arith.subi %get3A_15, %while3A_16 : i32
    %while3A_18 = arith.addi %while3A_16, %while3A_17 : i32
    %while3A_19 = arith.constant 1 : i32
    %while3A_20 = arith.divsi %while3A_17, %while3A_19 : i32
    %while3A_21 = arith.muli %while3A_20, %while3A_19 : i32
    %while3A_22 = arith.addi %while3A_16, %while3A_21 : i32
    %while3A_23 = arith.constant 1 : i32
    scf.for %while3A_36 = %while3A_16 to %while3A_22 step %while3A_23  : i32 {
      %get3A_37 = arith.index_cast %while3A_36 : i32 to index
      %get3A_38 = memref.load %arg5[%get3A_37] : memref<81928xi32, #tpu.memory_space<smem>>
      %and3A = arith.constant 8191 : i32
      %and3A_39 = arith.andi %get3A_38, %and3A : i32
      %shift_right_arithmetic3A = arith.constant 13 : i32
      %shift_right_arithmetic3A_40 = arith.shrsi %get3A_38, %shift_right_arithmetic3A : i32
      %and3A_41 = arith.constant 8191 : i32
      %and3A_42 = arith.andi %shift_right_arithmetic3A_40, %and3A_41 : i32
      %shift_right_arithmetic3A_43 = arith.constant 26 : i32
      %shift_right_arithmetic3A_44 = arith.shrsi %get3A_38, %shift_right_arithmetic3A_43 : i32
      %ge3A_45 = arith.constant 9 : i32
      %ge3A_46 = arith.cmpi sge, %shift_right_arithmetic3A_44, %ge3A_45 : i32
      %sub3A = arith.constant 9 : i32
      %sub3A_47 = arith.subi %shift_right_arithmetic3A_44, %sub3A : i32
      %select_n3A_48 = arith.select %ge3A_46, %sub3A_47, %shift_right_arithmetic3A_44 : i32
      %jit3A = arith.constant -1.000000e+00 : f32
      %jit3A_49 = arith.constant 1.000000e+00 : f32
      %select_n3A_50 = arith.select %ge3A_46, %jit3A, %jit3A_49 : f32
      %get3A_51 = arith.index_cast %and3A_42 : i32 to index
      %get3A_52 = arith.constant 0 : index
      %get3A_53 = vector.load %arg0[%get3A_51, %get3A_52] : memref<8192x64xf32, #tpu.memory_space<vmem>>, vector<1x64xf32>
      %get3A_54 = arith.index_cast %select_n3A_48 : i32 to index
      %get3A_55 = arith.constant 0 : index
      %get3A_56 = arith.constant 0 : index
      %get3A_57 = vector.load %arg1[%get3A_54, %get3A_55, %get3A_56] : memref<9x64x1xf32, #tpu.memory_space<vmem>>, vector<1x64x1xf32>
      %get3A_58 = vector.shape_cast %get3A_57 : vector<1x64x1xf32> to vector<64x1xf32>
      %dot_general3A_59 = arith.constant dense<0.000000e+00> : vector<1x1xf32>
      %dot_general3A_60 = tpu.matmul %get3A_53, %get3A_58, %dot_general3A_59 {dimension_numbers = #tpu.dot_dimension_numbers<[1], [0], [0], [1], [0, 0, 1, 1], [], []>, transpose_lhs_hint = false} : vector<1x64xf32>, vector<64x1xf32>, vector<1x1xf32> -> vector<1x1xf32>
      %get3A_61 = arith.index_cast %and3A_39 : i32 to index
      %get3A_62 = arith.constant 0 : index
      %get3A_63 = vector.load %arg6[%get3A_61, %get3A_62] : memref<8192x1xf32, #tpu.memory_space<vmem>>, vector<1x1xf32>
      %mul3A_64 = vector.broadcast %select_n3A_50 : f32 to vector<1x1xf32>
      %mul3A_65 = arith.mulf %mul3A_64, %dot_general3A_60 : vector<1x1xf32>
      %add3A_66 = arith.addf %get3A_63, %mul3A_65 : vector<1x1xf32>
      %swap3A_67 = arith.index_cast %and3A_39 : i32 to index
      %swap3A_68 = arith.constant 0 : index
      %swap3A_69 = vector.load %arg6[%swap3A_67, %swap3A_68] : memref<8192x1xf32, #tpu.memory_space<vmem>>, vector<1x1xf32>
      tpu.vector_store %arg6[%swap3A_67, %swap3A_68], %add3A_66 {strides = array<i32>} : memref<8192x1xf32, #tpu.memory_space<vmem>>, vector<1x1xf32>,
    }
    %while3A_24 = arith.constant 1 : i32
    scf.for %while3A_36 = %while3A_22 to %while3A_18 step %while3A_24  : i32 {
      %get3A_37 = arith.index_cast %while3A_36 : i32 to index
      %get3A_38 = memref.load %arg5[%get3A_37] : memref<81928xi32, #tpu.memory_space<smem>>
      %and3A = arith.constant 8191 : i32
      %and3A_39 = arith.andi %get3A_38, %and3A : i32
      %shift_right_arithmetic3A = arith.constant 13 : i32
      %shift_right_arithmetic3A_40 = arith.shrsi %get3A_38, %shift_right_arithmetic3A : i32
      %and3A_41 = arith.constant 8191 : i32
      %and3A_42 = arith.andi %shift_right_arithmetic3A_40, %and3A_41 : i32
      %shift_right_arithmetic3A_43 = arith.constant 26 : i32
      %shift_right_arithmetic3A_44 = arith.shrsi %get3A_38, %shift_right_arithmetic3A_43 : i32
      %ge3A_45 = arith.constant 9 : i32
      %ge3A_46 = arith.cmpi sge, %shift_right_arithmetic3A_44, %ge3A_45 : i32
      %sub3A = arith.constant 9 : i32
      %sub3A_47 = arith.subi %shift_right_arithmetic3A_44, %sub3A : i32
      %select_n3A_48 = arith.select %ge3A_46, %sub3A_47, %shift_right_arithmetic3A_44 : i32
      %jit3A = arith.constant -1.000000e+00 : f32
      %jit3A_49 = arith.constant 1.000000e+00 : f32
      %select_n3A_50 = arith.select %ge3A_46, %jit3A, %jit3A_49 : f32
      %get3A_51 = arith.index_cast %and3A_42 : i32 to index
      %get3A_52 = arith.constant 0 : index
      %get3A_53 = vector.load %arg0[%get3A_51, %get3A_52] : memref<8192x64xf32, #tpu.memory_space<vmem>>, vector<1x64xf32>
      %get3A_54 = arith.index_cast %select_n3A_48 : i32 to index
      %get3A_55 = arith.constant 0 : index
      %get3A_56 = arith.constant 0 : index
      %get3A_57 = vector.load %arg1[%get3A_54, %get3A_55, %get3A_56] : memref<9x64x1xf32, #tpu.memory_space<vmem>>, vector<1x64x1xf32>
      %get3A_58 = vector.shape_cast %get3A_57 : vector<1x64x1xf32> to vector<64x1xf32>
      %dot_general3A_59 = arith.constant dense<0.000000e+00> : vector<1x1xf32>
      %dot_general3A_60 = tpu.matmul %get3A_53, %get3A_58, %dot_general3A_59 {dimension_numbers = #tpu.dot_dimension_numbers<[1], [0], [0], [1], [0, 0, 1, 1], [], []>, transpose_lhs_hint = false} : vector<1x64xf32>, vector<64x1xf32>, vector<1x1xf32> -> vector<1x1xf32>
      %get3A_61 = arith.index_cast %and3A_39 : i32 to index
      %get3A_62 = arith.constant 0 : index
      %get3A_63 = vector.load %arg6[%get3A_61, %get3A_62] : memref<8192x1xf32, #tpu.memory_space<vmem>>, vector<1x1xf32>
      %mul3A_64 = vector.broadcast %select_n3A_50 : f32 to vector<1x1xf32>
      %mul3A_65 = arith.mulf %mul3A_64, %dot_general3A_60 : vector<1x1xf32>
      %add3A_66 = arith.addf %get3A_63, %mul3A_65 : vector<1x1xf32>
      %swap3A_67 = arith.index_cast %and3A_39 : i32 to index
      %swap3A_68 = arith.constant 0 : index
      %swap3A_69 = vector.load %arg6[%swap3A_67, %swap3A_68] : memref<8192x1xf32, #tpu.memory_space<vmem>>, vector<1x1xf32>
      tpu.vector_store %arg6[%swap3A_67, %swap3A_68], %add3A_66 {strides = array<i32>} : memref<8192x1xf32, #tpu.memory_space<vmem>>, vector<1x1xf32>,
    }
    %get3A_25 = arith.constant 0 : index
    %get3A_26 = memref.load %arg3[%get3A_25] : memref<1xf32, #tpu.memory_space<smem>>
    %get3A_27 = arith.constant 0 : index
    %get3A_28 = arith.constant 0 : index
    %get3A_29 = vector.load %arg6[%get3A_27, %get3A_28] : memref<8192x1xf32, #tpu.memory_space<vmem>>, vector<8192x1xf32>
    %ge3A = arith.constant 0.000000e+00 : f32
    %ge3A_30 = vector.broadcast %ge3A : f32 to vector<8192x1xf32>
    %ge3A_31 = arith.cmpf oge, %get3A_29, %ge3A_30 : vector<8192x1xf32>
    %mul3A = vector.broadcast %get3A_26 : f32 to vector<8192x1xf32>
    %mul3A_32 = arith.mulf %mul3A, %get3A_29 : vector<8192x1xf32>
    %select_n3A = arith.select %ge3A_31, %get3A_29, %mul3A_32 : vector<8192x1xi1>, vector<8192x1xf32>
    %swap3A_33 = arith.constant 0 : index
    %swap3A_34 = arith.constant 0 : index
    %swap3A_35 = vector.load %arg6[%swap3A_33, %swap3A_34] : memref<8192x1xf32, #tpu.memory_space<vmem>>, vector<8192x1xf32>
    tpu.vector_store %arg6[%swap3A_33, %swap3A_34], %select_n3A {strides = array<i32>} : memref<8192x1xf32, #tpu.memory_space<vmem>>, vector<8192x1xf32>,
    return
  }
}

</mosaic_0001>

<sc_bundles>
// kernel: gather_offload_async_start
scs
__scs_entry_jumppad:
0x0: {  	(pc) =	sbr.rel $0x88, $3  }
0x1: {  	(tag) =	ssettag $0x0;
	lr =	simm.s32 $0x1  }
0x2: {  	[smem:$0x3F8D] =	sst lr;
	_ =	strace $0xD0000000  }
0x3: {  	_ = 	snop  }
0x4: {  	_ = 	snop  }
0x5: {  	_ = 	snop  }
0x6: {  	_ = 	snop  }
0x7: {  	_ = 	snop  }
__scs_overlays_trampoline_lowered:
0x8: {  	[smem:$0x3F9C] =	sst s0  }
0x9: {  	[smem:$0x3F9D] =	sst s1  }
0xa: {  	[smem:$0x3F9E] =	sst s2  }
0xb: {  	[smem:$0x3F9F] =	sst s3  }
0xc: {  	[smem:$0x3FA0] =	sst s4  }
0xd: {  	[smem:$0x3FA1] =	sst s5  }
0xe: {  	[smem:$0x3FA2] =	sst s6  }
0xf: {  	[smem:$0x3FA3] =	sst s7  }
0x10: {  	[smem:$0x3FA4] =	sst s8  }
0x11: {  	[smem:$0x3FA5] =	sst s9;
	s0 =	simm.s32 @!p0 $0x0  }
0x12: {  	s1 =	sld [smem:$0x3F8B];
	s0 =	simm.s32 @p0 $0x1  }
0x13: {  	[smem:$0x3FA6] =	sst s0;
	s0 =	simm.s32 @!p1 $0x0  }
0x14: {  	s2 =	sld [smem:$0x3F8A];
	s0 =	simm.s32 @p1 $0x1  }
0x15: {  	[smem:$0x3FA7] =	sst s0;
	s0 =	simm.s32 @!p2 $0x0  }
0x16: {  	s3 =	sld [smem:$0x3FDB];
	s0 =	simm.s32 @p2 $0x1  }
0x17: {  	s4 =	simm.s32 $0x1BF5;
	[smem:$0x3FA9] =	sst s0  }
0x18: {  	s0 =	sld [smem:$0x3F8C];
	_ =	swait.ge [sflag:s4], $0x0  }
0x19: {  	s7 =	sld [smem:$0x3F8D]  }
0x1a: {  	s8 =	sadd.s32 $0xFFFFE003, lr  }
0x1b: {  	s9 =	sadd.s32 $0xFFFFFEF7, lr;
	s5 =	simm.s32 $0xFFFFFFFF;
	p2 =	slt.u32 s8, $0xFFFFF086  }
0x1c: {  	p1 =	slt.u32 s9, $0xF7A;
	s5 =	simm.s32 @!p2 $0x0  }
0x1d: {  	s5 =	simm.s32 @p1 $0x1;
	p0 =	seq.s32 s7, s2  }
0x1e: {  	s7 =	smul.u32 @!p0 $0xF7A, s2;
	p2 =	seq.s32 @!p0 s5, $0x0  }
0x1f: {  	s9 =	smul.u32 $0xF7A, s1;
	s8 =	simm.s32 @!p0 $0x1BF5;
	p2 =	por !p2, p0  }
0x20: {  	[sflag:s8] =	ssyncset.s32 @!p0 $0xFFFFF086;
	s6 =	sadd.s32 @!p0 s3, s7;
	s7 =	simm.s32 @!p0 $0x108  }
0x21: {  	s3 =	sadd.s32 s3, s9;
	s6 =	sadd.s32 @!p0 $0x88, s6;
	s7 =	simm.s32 @p2 $0x1082  }
0x22: {  	[simem:s7], [sflag:s8] =	dma.local @!p0 [hbm:s6], $0xF7A  }
0x23: {  	s9 =	sor.u32 $0xD0000000, s2;
	s6 =	simm.s32 $0x108;
	_ =	swait.ge @!p0 [sflag:s8], $0x0  }
0x24: {  	s3 =	sadd.s32 $0x88, s3;
	s6 =	simm.s32 @!p1 $0x1082;
	[sflag:s4] =	ssyncset.s32 $0xFFFFF086  }
0x25: {  	[simem:s6], [sflag:s4] =	dma.local [hbm:s3], $0xF7A  }
0x26: {  	[smem:$0x3F8D] =	sst s1;
	(tag) =	ssettag s2;
	_ =	strace s9  }
0x27: {  	s1 =	sld [smem:$0x3F9D]  }
0x28: {  	s2 =	sld [smem:$0x3F9E]  }
0x29: {  	s4 =	sld [smem:$0x3FA0]  }
0x2a: {  	p0 =	seq.s32 s5, $0x0;
	s5 =	sld [smem:$0x3FA1]  }
0x2b: {  	s6 =	sld [smem:$0x3FA2]  }
0x2c: {  	s7 =	sld [smem:$0x3FA3]  }
0x2d: {  	s3 =	simm.s32 $0x108;
	s8 =	sld [smem:$0x3FA4]  }
0x2e: {  	s3 =	simm.s32 @!p0 $0x1082;
	s9 =	sld [smem:$0x3FA5]  }
0x2f: {  	lr =	sadd.s32 s0, s3;
	s0 =	sld [smem:$0x3F9C]  }
0x30: {  	s3 =	sld [smem:$0x3F9F]  }
0x31: {  	[smem:$0x3FA8] =	sst s10  }
0x32: {  	s10 =	sld [smem:$0x3FA6];
	_ =	sdelay $0x3  }
0x33: {  	p0 =	seq.s32 s10, $0x1;
	s10 =	sld [smem:$0x3FA8];
	_ =	sdelay $0x3  }
0x34: {  	[smem:$0x3FA8] =	sst s10  }
0x35: {  	s10 =	sld [smem:$0x3FA7];
	_ =	sdelay $0x3  }
0x36: {  	p1 =	seq.s32 s10, $0x1;
	s10 =	sld [smem:$0x3FA8];
	_ =	sdelay $0x3  }
0x37: {  	[smem:$0x3FA8] =	sst s10  }
0x38: {  	s10 =	sld [smem:$0x3FA9]  }
0x39: {  	_ = 	snop;
	(pc) =	sbr.ind lr, $3  }
0x3a: {  	_ = 	snop  }
0x3b: {  	_ = 	snop  }
0x3c: {  	p2 =	seq.s32 s10, $0x1;
	s10 =	sld [smem:$0x3FA8]  }
0x3d: {  	_ =	shalt  }
0x3e: {  	_ =	shalt  }
0x3f: {  	_ =	shalt  }
0x40: {  	_ =	shalt  }
0x41: {  	_ =	shalt  }
0x42: {  	_ =	shalt  }
0x43: {  	_ =	shalt  }
0x44: {  	_ =	shalt  }
0x45: {  	_ =	shalt  }
0x46: {  	_ =	shalt  }
0x47: {  	_ =	shalt  }
0x48: {  	_ =	shalt  }
0x49: {  	_ =	shalt  }
0x4a: {  	_ =	shalt  }
0x4b: {  	_ =	shalt  }
0x4c: {  	_ =	shalt  }
0x4d: {  	_ =	shalt  }
0x4e: {  	_ =	shalt  }
0x4f: {  	_ =	shalt  }
0x50: {  	_ =	shalt  }
0x51: {  	_ =	shalt  }
0x52: {  	_ =	shalt  }
0x53: {  	_ =	shalt  }
0x54: {  	_ =	shalt  }
0x55: {  	_ =	shalt  }
0x56: {  	_ =	shalt  }
0x57: {  	_ =	shalt  }
0x58: {  	_ =	shalt  }
0x59: {  	_ =	shalt  }
0x5a: {  	_ =	shalt  }
0x5b: {  	_ =	shalt  }
0x5c: {  	_ =	shalt  }
0x5d: {  	_ =	shalt  }
0x5e: {  	_ =	shalt  }
0x5f: {  	_ =	shalt  }
0x60: {  	_ =	shalt  }
0x61: {  	_ =	shalt  }
0x62: {  	_ =	shalt  }
0x63: {  	_ =	shalt  }
0x64: {  	_ =	shalt  }
0x65: {  	_ =	shalt  }
0x66: {  	_ =	shalt  }
0x67: {  	_ =	shalt  }
0x68: {  	_ =	shalt  }
0x69: {  	_ =	shalt  }
0x6a: {  	_ =	shalt  }
0x6b: {  	_ =	shalt  }
0x6c: {  	_ =	shalt  }
0x6d: {  	_ =	shalt  }
0x6e: {  	_ =	shalt  }
0x6f: {  	_ =	shalt  }
0x70: {  	_ =	shalt  }
0x71: {  	_ =	shalt  }
0x72: {  	_ =	shalt  }
0x73: {  	_ =	shalt  }
0x74: {  	_ =	shalt  }
0x75: {  	_ =	shalt  }
0x76: {  	_ =	shalt  }
0x77: {  	_ =	shalt  }
0x78: {  	_ =	shalt  }
0x79: {  	_ =	shalt  }
0x7a: {  	_ =	shalt  }
0x7b: {  	_ =	shalt  }
0x7c: {  	_ =	shalt  }
0x7d: {  	_ =	shalt  }
0x7e: {  	_ =	shalt  }
0x7f: {  	_ =	shalt  }
0x80: {  	_ =	shalt  }
0x81: {  	_ =	shalt  }
0x82: {  	_ =	shalt  }
0x83: {  	_ =	shalt  }
0x84: {  	_ =	shalt  }
0x85: {  	_ =	shalt  }
0x86: {  	_ =	shalt  }
0x87: {  	_ =	shalt  }
.Lfunc_end0:
.L_simem_size_0:
called_computation_lowered:
.L_overlay_start_0:
0x88: {  	s2 =	sld [smem:$0x3FD9]  }
0x89: {  	s3 =	sld [smem:$0x3FFE];
	_ =	sdelay $0x1  }
0x8a: {  	s1 =	srdreg.scid  }
0x8b: {  	s0 =	sand.u32 $0x1, s1  }
0x8c: {  	s16 =	sshll.u32 s0, $0xA;
	s2 =	sadd.s32 s3, s2  }
0x8d: {  	s2 =	sadd.s32 s2, s16  }
0x8e: {  	[smem:$0x3FB4] =	sst s2  }
0x8f: {  	_ = 	snop  }
0x90: {  	(tm) =	ssettm $0x1  }
0x91: {  	s17 =	sld [smem:$0x3FFB];
	_ =	sdelay $0x3  }
0x92: {  	_ =	strace s17  }
0x93: {  	s2 =	sld [smem:$0x3FFC];
	_ =	sdelay $0x3  }
0x94: {  	_ =	strace s2  }
0x95: {  	s2 =	sld [smem:$0x3FFD];
	_ =	sdelay $0x3  }
0x96: {  	_ =	strace s2  }
0x97: {  	_ =	strace $0x8FFFFFFF  }
0x98: {  	s18 =	sld [smem:$0x3FDB];
	_ =	sdelay $0x1  }
0x99: {  	s19 =	simm.s32 $_scs_section_size  }
0x9a: {  	s4 =	simm.s32 $_size__tile_overlayer_lowered;
	s5 =	simm.s32 $_tile_overlayer_lowered  }
0x9b: {  	s22 =	simm.s32 $0x1BFF;
	s21 =	sshll.u32 s5, $0x1;
	s2 =	sadd.s32 s19, s18  }
0x9c: {  	s6 =	simm.s32 $0x0;
	s20 =	sshll.u32 s4, $0x1;
	s4 =	sadd.s32 s21, s2  }
0x9d: {  	[timem:s6], [sflag:s22] =	dma.local [hbm:s4], s20  }
0x9e: {  	_ =	swait.ge [sflag:s22], s20  }
0x9f: {  	s3 =	ssub.s32 $0x0, s20;
	[sflag:s22] =	ssyncset.done $0x0  }
0xa0: {  	[sflag:s22] =	ssyncadd.s32 s3;
	_ =	sdelay $0x1  }
0xa1: {  	s23 =	simm.s32 $0x1B8B  }
0xa2: {  	_ =	swait.ge [sflag:s23], $0x1  }
0xa3: {  	[sflag:s23] =	ssyncset.done $0x0  }
0xa4: {  	s25 =	simm.s32 $0x1B8E;
	s24 =	sld [smem:$0x3FFE];
	[sflag:s23] =	ssyncadd.s32 $0xFFFFFFFF  }
0xa5: {  	s26 =	simm.s32 $execute0_lowered;
	[smem:$0x3FD2] =	sst s25  }
0xa6: {  	s4 =	sshll.u32 s26, $0x1;
	_ =	strace $0x80000046;
	[dreg:$0x1] =	wrdreg $0xFFFFFFFF  }
0xa7: {  	s28 =	simm.s32 $_size_execute0_lowered;
	s2 =	sadd.s32 s2, s4;
	[dreg:$0x0] =	wrdreg $0x0  }
0xa8: {  	s4 =	sshll.u32 s28, $0x1;
	[dreg:$0x2] =	wrdreg s2  }
0xa9: {  	[dreg:$0x3] =	wrdreg s4  }
0xaa: {  	[dreg:$0x4] =	wrdreg $0xC0  }
0xab: {  	_ =	task [dreg:s6], $0x5FFFF  }
0xac: {  	[dreg:$0x1] =	wrdreg $0xFFFFFFFF  }
0xad: {  	[dreg:$0x0] =	wrdreg $0x60  }
0xae: {  	[dreg:$0x2] =	wrdreg s24  }
0xaf: {  	[dreg:$0x3] =	wrdreg $0x9  }
0xb0: {  	_ =	task.clear_ibuf [dreg:s6], $0x4FFFF;
	_ =	strace $0x90000046  }
0xb1: {  	s29 =	simm.s32 $0x9;
	_ =	strace $0x80000048  }
0xb2: {  	_ =	swait.ge [sflag:s29], $0x1  }
0xb3: {  	[sflag:s29] =	ssyncadd.s32 $0xFFFFFFFF  }
0xb4: {  	_ =	strace $0x90000048  }
0xb5: {  	_ =	sfence  }
0xb6: {  	s30 =	sld [smem:$0x0];
	_ =	sdelay $0x2  }
0xb7: {  	s31 =	sshll.u32 s1, $0xD;
	s1 =	sshrl.u32 s1, $0x2  }
0xb8: {  	s3 =	sand.u32 $0x4000, s31;
	s1 =	sadd.s32 s1, s30  }
0xb9: {  	s0 =	sor.u32 s3, s0;
	s1 =	sshll.u32 s1, $0x11  }
0xba: {  	s0 =	sor.u32 s1, s0  }
0xbb: {  	s0 =	sadd.s32 $0x8F2B, s0  }
0xbc: {  	[sflag:s0] =	ssyncadd.remote.s32 $0x1  }
0xbd: {  	_ =	sfence.sel $0xFFFF  }
0xbe: {  	[dreg:$0x0] =	wrdreg $0xFFFFFFFF;
	(pc) =	sbr.abs _section_cstart, $3  }
0xbf: {  	[dreg:$0x1] =	wrdreg $0xFFFFFFFF  }
0xc0: {  	_ =	task.clear_ibuf [dreg:s6], $0x2FFFF;
	_ =	strace $0x9FFFFFFF  }
0xc1: {  	(tm) =	ssettm $0x7FFFFFFF  }
tec
execute0_lowered:
.L_overlay_start_1:
0x0: {  	(tag) =	ssettag $0x1  }
0x1: {  	s0 =	srdreg.scid;
	s5 =	rddreg [dreg:$0x0]  }
0x2: {  	s1 =	stileid.u32;
	s6 =	simm.s32 $0x1;
	s9 =	simm.s32 $0x1  }
0x3: {  	s10 =	simm.s32 $0x3;
	s13 =	simm.s32 $0x0;
	s2 =	sshll.u32 s0, $0xB  }
0x4: {  	s12 =	simm.s32 $0x0;
	s3 =	sshll.u32 s1, $0xC;
	s2 =	sand.u32 $0x800, s2  }
0x5: {  	s0 =	rddreg [dreg:$0x1];
	_ =	strace $0x80000047;
	s2 =	sor.u32 s3, s2  }
0x6: {  	s4 =	sadd.s32 $0x202800, s5;
	[sflag:s6] =	ssyncpa.u1 $0x0;
	s8 =	ssub.s32 $0x12000, s2  }
.Ltmp0:
0x7: {  	s3 =	sadd.s32 $0x2000, s5;
	s7 =	sand.u32 $0xF800, s8;
	(pc) =	sbr.rel .LBB2_1-.Ltmp0, $4  }
0x8: {  	s5 =	sadd.s32 $0x215A00, s5;
	s11 =	smov.u32 s2;
	p0 =	sne.s32 s7, $0x0  }
0x9: {  	s8 =	sshrl.u32 s8, $0x10;
	s7 =	simm.s32 $0x2;
	s9 =	simm.s32 @!p0 $0x0  }
0xa: {  	[sflag:s7] =	ssyncpa.u1 $0x0;
	p0 =	por $0x0, $0x0;
	s8 =	sadd.s32 s9, s8  }
0xb: {  	vm0 =	vmmov $0xffff;
	[sflag:s10] =	ssyncpa.u1 $0x0;
	s10 =	simm.s32 $0x0;
	s9 =	sadd.s32 $0x1, s8  }
.LBB2_4:
0xc: {  	vm1 =	veq.s32 v0, $0x80000000;
	v63 =	vand.u32 $0xFFF, v0;
	v2 =	vand.u32 $0xFFF, v2  }
0xd: {  	v0 =	vsel vm1, $0xFFFFFFFF, v63;
	v2 =	vsel vm1, $0xFFFFFFFF, v2  }
0xe: {  	v3 =	vshll.u32 v0, $0xC;
	v4 =	vshll.u32 v2, $0x3  }
0xf: {  	v0 =	vshll.u32 v0, $0x7;
	v3 =	vand.u32 $0xFFFF8000, v3;
	v4 =	vand.u32 $0xFFFFFC00, v4  }
0x10: {  	v0 =	vand.u32 $0x380, v0;
	v3 =	vadd.s32 v3, v4  }
0x11: {  	v2 =	vand.u32 $0x7F, v2;
	v0 =	vor.u32 v0, v3  }
0x12: {  	v0 =	vor.u32 v2, v0;
	_ =	sdelay $0x1  }
0x13: {  	(ifvalue) =	ssetifvalue $0x7FFFFFFF;
	s14 =	sadd.s32 $0x10, s14  }
0x14: {  	[tilespmem:s14], [sflag:$0x1] =	stream.indirect_vreg.gather [hbm4b:s3+s10], $0x1, v1, vm0, $0x4038;
	[tilespmem:$0x2000] =	vst v63  }
0x15: {  	(ifvalue) =	ssetifvalue $0x7FFFFFFF;
	s14 =	sadd.s32 $0x10, s14  }
0x16: {  	[tilespmem:s14], [sflag:$0x1] =	stream.indirect_vreg.gather [hbm4b:s3+s10], $0x1, v0, vm0, $0x4038;
	[tilespmem:$0x2000] =	vst v63  }
0x17: {  	_ =	swait.ge [sflag:s6], $0x800  }
0x18: {  	s30 =	sshrl.u32 s13, $0x3;
	[sflag:s6] =	ssyncset.done $0x0  }
0x19: {  	s31 =	sand.u32 $0x7, s13;
	s14 =	sadd.s32 s5, s30;
	[sflag:s6] =	ssyncadd.s32 $0xFFFFF800  }
0x1a: {  	[hbm4b:s14+s31] =	stream.linear.scatter [tilespmem:s15], [sflag:$0x3], $0x800, $0x38;
	[tilespmem:$0x2000] =	vst v63  }
.LBB2_5:
0x1b: {  	s15 =	sadd.s32 $0x10000, s11  }
0x1c: {  	p2 =	sgt.s32 s15, $0x11FFF  }
0x1d: {  	s15 =	smov.u32 @p2 s2;
	p2 =	sne.s32 s12, s9  }
.Ltmp1:
0x1e: {  	p1 =	slt.u32 s12, $0x2;
	(pc) =	sbr.rel @!p2 .LBB2_6-.Ltmp1, $4  }
0x1f: {  	s14 =	simm.s32 @!p1 $0x3  }
0x20: {  	s16 =	sadd.s32 $0x1, s12;
	_ =	swait.ge @!p1 [sflag:s14], $0x800  }
0x21: {  	s13 =	smov.u32 s11;
	p0 =	por !p0, !p0;
	[sflag:s14] =	ssyncset.done @!p1 $0x0  }
0x22: {  	s12 =	smov.u32 s16;
	s11 =	smov.u32 s15;
	[sflag:s14] =	ssyncadd.s32 @!p1 $0xFFFFF800  }
.LBB2_1:
0x23: {  	p1 =	sge.u32 s12, s8  }
0x24: {  	s14 =	sxor.u32 @!p1 $0xFFFFFFFF, s12  }
0x25: {  	s31 =	sadd.s32 $0xFFFFFFFF, s12;
	s15 =	sshrl.u32 @!p1 s11, $0x3;
	s14 =	sshll.u32 @!p1 s14, $0xB  }
0x26: {  	s16 =	sand.u32 @!p1 $0x7, s11;
	s15 =	sadd.s32 @!p1 s4, s15;
	s14 =	sand.u32 @!p1 $0x800, s14  }
0x27: {  	[tilespmem:s14], [sflag:$0x2] =	stream.linear.gather @!p1 [hbm4b:s15+s16], $0x800, $0x38;
	[tilespmem:$0x2000] =	vst v63  }
0x28: {  	p1 =	sge.u32 s31, s8  }
.Ltmp2:
0x29: {  	_ = 	snop;
	(pc) =	sbr.rel @p1 .LBB2_5-.Ltmp2, $1  }
0x2a: {  	_ =	sdelay $0x3  }
0x2b: {  	s14 =	simm.s32 $0x1  }
0x2c: {  	_ =	swait.ge [sflag:s7], $0x800;
	s14 =	simm.s32 @!p0 $0x0  }
0x2d: {  	[sflag:s7] =	ssyncset.done $0x0;
	s14 =	sshll.u32 s14, $0xB  }
0x2e: {  	[sflag:s7] =	ssyncadd.s32 $0xFFFFF800;
	(ifvalue) =	ssetifvalue $0x7FFFFFFF;
	v0 =	vld.msk [tilespmem:s14+$0x0 ss:$0x1], $0xffff;
	_ =	sdelay $0x3  }
0x2f: {  	s15 =	sadd.s32 $0x10, s14  }
0x30: {  	v2 =	vld.msk [tilespmem:s15+$0x0 ss:$0x1], $0xffff;
	v1 =	vshrl.u32 v0, $0xC  }
0x31: {  	vm1 =	veq.s32 v0, $0x80000000;
	v0 =	vand.u32 $0xFFF, v0;
	v1 =	vand.u32 $0xFFF, v1  }
0x32: {  	v0 =	vsel vm1, $0xFFFFFFFF, v0;
	v1 =	vsel vm1, $0xFFFFFFFF, v1  }
0x33: {  	v3 =	vshll.u32 v0, $0xC;
	v4 =	vshll.u32 v1, $0x3  }
0x34: {  	v0 =	vshll.u32 v0, $0x7;
	v3 =	vand.u32 $0xFFFF8000, v3;
	v4 =	vand.u32 $0xFFFFFC00, v4  }
0x35: {  	vm1 =	veq.s32 v2, $0x80000000;
	v0 =	vand.u32 $0x380, v0;
	v3 =	vadd.s32 v3, v4  }
0x36: {  	v1 =	vand.u32 $0x7F, v1;
	v0 =	vor.u32 v0, v3;
	v3 =	vshrl.u32 v2, $0xC  }
0x37: {  	s17 =	sadd.s32 $0x10, s15;
	v2 =	vand.u32 $0xFFF, v2;
	v1 =	vor.u32 v1, v0;
	v3 =	vand.u32 $0xFFF, v3  }
0x38: {  	v0 =	vld.msk [tilespmem:s17+$0x0 ss:$0x1], $0xffff;
	v2 =	vsel vm1, $0xFFFFFFFF, v2;
	v3 =	vsel vm1, $0xFFFFFFFF, v3  }
0x39: {  	v63 =	vshll.u32 v2, $0xC;
	v5 =	vshll.u32 v3, $0x3  }
0x3a: {  	s31 =	sshll.u32 s12, $0xB;
	v2 =	vshll.u32 v2, $0x7;
	v4 =	vand.u32 $0xFFFF8000, v63;
	v5 =	vand.u32 $0xFFFFFC00, v5  }
0x3b: {  	s14 =	sor.u32 $0x1000, s14;
	s15 =	sand.u32 $0x800, s31;
	(ifvalue) =	ssetifvalue $0x7FFFFFFF;
	v2 =	vand.u32 $0x380, v2;
	v4 =	vadd.s32 v4, v5  }
0x3c: {  	[tilespmem:s14], [sflag:$0x1] =	stream.indirect_vreg.gather [hbm4b:s3+s10], $0x1, v1, vm0, $0x4038;
	v1 =	vand.u32 $0x7F, v3;
	v3 =	vor.u32 v2, v4;
	[tilespmem:$0x2000] =	vst v63  }
0x3d: {  	s16 =	simm.s32 $0x20;
	s15 =	sor.u32 $0x1000, s15;
	s17 =	sadd.s32 $0x10, s17;
	v2 =	vshrl.u32 v0, $0xC;
	v1 =	vor.u32 v1, v3  }
.LBB2_3:
0x3e: {  	s16 =	sadd.s32 $0x10, s16;
	vm1 =	veq.s32 v0, $0x80000000;
	v3 =	vand.u32 $0xFFF, v0;
	v0 =	vld.msk [tilespmem:s17+$0x0 ss:$0x1], $0xffff;
	v2 =	vand.u32 $0xFFF, v2  }
0x3f: {  	p1 =	slt.u32 s16, $0x7F0;
	v3 =	vsel vm1, $0xFFFFFFFF, v3;
	v2 =	vsel vm1, $0xFFFFFFFF, v2  }
.Ltmp3:
0x40: {  	v4 =	vshll.u32 v3, $0xC;
	v5 =	vshll.u32 v2, $0x3;
	(pc) =	sbr.rel @p1 .LBB2_3-.Ltmp3, $4  }
0x41: {  	s14 =	sadd.s32 $0x10, s14;
	v3 =	vshll.u32 v3, $0x7;
	v4 =	vand.u32 $0xFFFF8000, v4;
	v5 =	vand.u32 $0xFFFFFC00, v5;
	(ifvalue) =	ssetifvalue $0x7FFFFFFF  }
0x42: {  	v3 =	vand.u32 $0x380, v3;
	v4 =	vadd.s32 v4, v5;
	[tilespmem:s14], [sflag:$0x1] =	stream.indirect_vreg.gather [hbm4b:s3+s10], $0x1, v1, vm0, $0x4038;
	[tilespmem:$0x2000] =	vst v63  }
0x43: {  	v1 =	vand.u32 $0x7F, v2;
	v3 =	vor.u32 v3, v4  }
0x44: {  	s17 =	sadd.s32 $0x10, s17;
	v2 =	vshrl.u32 v0, $0xC;
	v1 =	vor.u32 v1, v3  }
.Ltmp4:
0x45: {  	_ = 	snop;
	(pc) =	sbr.rel .LBB2_4-.Ltmp4, $1  }
0x46: {  	_ =	sdelay $0x3  }
.LBB2_6:
0x47: {  	_ =	sfence.sel $0x180000  }
0x48: {  	s2 =	simm.s32 $0x2;
	[bflag:$0x0] =	sbarrier.arrive $0xFFFF  }
0x49: {  	s30 =	simm.s32 $0x3;
	[sflag:s2] =	ssyncpa.u1 $0x1  }
0x4a: {  	s31 =	simm.s32 $0x1;
	[sflag:s30] =	ssyncpa.u1 $0x1  }
0x4b: {  	[sflag:s31] =	ssyncpa.u1 $0x1  }
0x4c: {  	p0 =	sne.s32 s1, $0x0;
	_ =	strace $0x90000047  }
0x4d: {  	s0 =	sadd.s32 @!p0 $0x100000, s0;
	[bflag:$0x2] =	sbarrier.arrive $0xFFFF  }
0x4e: {  	[sflag:s0] =	ssyncadd.tile.s32 @!p0 $0x1;
	_ =	shalt  }
.Lfunc_end2:
_tile_overlayer_lowered:
.L_overlay_start_2:
0x4f: {  	(tag) =	ssettag $0x2  }
0x50: {  	s0 =	rddreg [dreg:$0x0];
	s2 =	stileid.u32  }
0x51: {  	s1 =	rddreg [dreg:$0x1];
	p0 =	sne.s32 s2, $0x0  }
0x52: {  	s3 =	rddreg [dreg:$0x2];
	[bflag:$0x3] =	sbarrier.arrive $0xFFFF;
	s2 =	simm.s32 @!p0 $0x1C01  }
0x53: {  	[timem:s3], [sflag:s2] =	dma.local @!p0 [hbm:s0], s1  }
0x54: {  	s0 =	simm.s32 @!p0 $0x1  }
0x55: {  	_ =	swait.ge @!p0 [sflag:s0], s1  }
0x56: {  	s1 =	ssub.s32 @!p0 $0x0, s1;
	[sflag:s0] =	ssyncset.done @!p0 $0x0  }
0x57: {  	[sflag:s0] =	ssyncadd.s32 @!p0 s1  }
0x58: {  	[bflag:$0x3] =	sbarrier.arrive $0xFFFF  }
0x59: {  	_ =	shalt  }

// kernel: kernel.8.cloned.1.call-start
scs
__scs_entry_jumppad:
0x0: {  	(pc) =	sbr.rel $0x88, $3  }
0x1: {  	(tag) =	ssettag $0x0;
	lr =	simm.s32 $0x1  }
0x2: {  	[smem:$0x3F8D] =	sst lr;
	_ =	strace $0xD0000000  }
0x3: {  	_ = 	snop  }
0x4: {  	_ = 	snop  }
0x5: {  	_ = 	snop  }
0x6: {  	_ = 	snop  }
0x7: {  	_ = 	snop  }
__scs_overlays_trampoline_lowered:
0x8: {  	[smem:$0x3F9C] =	sst s0  }
0x9: {  	[smem:$0x3F9D] =	sst s1  }
0xa: {  	[smem:$0x3F9E] =	sst s2  }
0xb: {  	[smem:$0x3F9F] =	sst s3  }
0xc: {  	[smem:$0x3FA0] =	sst s4  }
0xd: {  	[smem:$0x3FA1] =	sst s5  }
0xe: {  	[smem:$0x3FA2] =	sst s6  }
0xf: {  	[smem:$0x3FA3] =	sst s7  }
0x10: {  	[smem:$0x3FA4] =	sst s8  }
0x11: {  	[smem:$0x3FA5] =	sst s9;
	s0 =	simm.s32 @!p0 $0x0  }
0x12: {  	s1 =	sld [smem:$0x3F8B];
	s0 =	simm.s32 @p0 $0x1  }
0x13: {  	[smem:$0x3FA6] =	sst s0;
	s0 =	simm.s32 @!p1 $0x0  }
0x14: {  	s2 =	sld [smem:$0x3F8A];
	s0 =	simm.s32 @p1 $0x1  }
0x15: {  	[smem:$0x3FA7] =	sst s0;
	s0 =	simm.s32 @!p2 $0x0  }
0x16: {  	s3 =	sld [smem:$0x3FDB];
	s0 =	simm.s32 @p2 $0x1  }
0x17: {  	s4 =	simm.s32 $0x1BF5;
	[smem:$0x3FA9] =	sst s0  }
0x18: {  	s0 =	sld [smem:$0x3F8C];
	_ =	swait.ge [sflag:s4], $0x0  }
0x19: {  	s7 =	sld [smem:$0x3F8D]  }
0x1a: {  	s8 =	sadd.s32 $0xFFFFE003, lr  }
0x1b: {  	s9 =	sadd.s32 $0xFFFFFEF7, lr;
	s5 =	simm.s32 $0xFFFFFFFF;
	p2 =	slt.u32 s8, $0xFFFFF086  }
0x1c: {  	p1 =	slt.u32 s9, $0xF7A;
	s5 =	simm.s32 @!p2 $0x0  }
0x1d: {  	s5 =	simm.s32 @p1 $0x1;
	p0 =	seq.s32 s7, s2  }
0x1e: {  	s7 =	smul.u32 @!p0 $0xF7A, s2;
	p2 =	seq.s32 @!p0 s5, $0x0  }
0x1f: {  	s9 =	smul.u32 $0xF7A, s1;
	s8 =	simm.s32 @!p0 $0x1BF5;
	p2 =	por !p2, p0  }
0x20: {  	[sflag:s8] =	ssyncset.s32 @!p0 $0xFFFFF086;
	s6 =	sadd.s32 @!p0 s3, s7;
	s7 =	simm.s32 @!p0 $0x108  }
0x21: {  	s3 =	sadd.s32 s3, s9;
	s6 =	sadd.s32 @!p0 $0x88, s6;
	s7 =	simm.s32 @p2 $0x1082  }
0x22: {  	[simem:s7], [sflag:s8] =	dma.local @!p0 [hbm:s6], $0xF7A  }
0x23: {  	s9 =	sor.u32 $0xD0000000, s2;
	s6 =	simm.s32 $0x108;
	_ =	swait.ge @!p0 [sflag:s8], $0x0  }
0x24: {  	s3 =	sadd.s32 $0x88, s3;
	s6 =	simm.s32 @!p1 $0x1082;
	[sflag:s4] =	ssyncset.s32 $0xFFFFF086  }
0x25: {  	[simem:s6], [sflag:s4] =	dma.local [hbm:s3], $0xF7A  }
0x26: {  	[smem:$0x3F8D] =	sst s1;
	(tag) =	ssettag s2;
	_ =	strace s9  }
0x27: {  	s1 =	sld [smem:$0x3F9D]  }
0x28: {  	s2 =	sld [smem:$0x3F9E]  }
0x29: {  	s4 =	sld [smem:$0x3FA0]  }
0x2a: {  	p0 =	seq.s32 s5, $0x0;
	s5 =	sld [smem:$0x3FA1]  }
0x2b: {  	s6 =	sld [smem:$0x3FA2]  }
0x2c: {  	s7 =	sld [smem:$0x3FA3]  }
0x2d: {  	s3 =	simm.s32 $0x108;
	s8 =	sld [smem:$0x3FA4]  }
0x2e: {  	s3 =	simm.s32 @!p0 $0x1082;
	s9 =	sld [smem:$0x3FA5]  }
0x2f: {  	lr =	sadd.s32 s0, s3;
	s0 =	sld [smem:$0x3F9C]  }
0x30: {  	s3 =	sld [smem:$0x3F9F]  }
0x31: {  	[smem:$0x3FA8] =	sst s10  }
0x32: {  	s10 =	sld [smem:$0x3FA6];
	_ =	sdelay $0x3  }
0x33: {  	p0 =	seq.s32 s10, $0x1;
	s10 =	sld [smem:$0x3FA8];
	_ =	sdelay $0x3  }
0x34: {  	[smem:$0x3FA8] =	sst s10  }
0x35: {  	s10 =	sld [smem:$0x3FA7];
	_ =	sdelay $0x3  }
0x36: {  	p1 =	seq.s32 s10, $0x1;
	s10 =	sld [smem:$0x3FA8];
	_ =	sdelay $0x3  }
0x37: {  	[smem:$0x3FA8] =	sst s10  }
0x38: {  	s10 =	sld [smem:$0x3FA9]  }
0x39: {  	_ = 	snop;
	(pc) =	sbr.ind lr, $3  }
0x3a: {  	_ = 	snop  }
0x3b: {  	_ = 	snop  }
0x3c: {  	p2 =	seq.s32 s10, $0x1;
	s10 =	sld [smem:$0x3FA8]  }
0x3d: {  	_ =	shalt  }
0x3e: {  	_ =	shalt  }
0x3f: {  	_ =	shalt  }
0x40: {  	_ =	shalt  }
0x41: {  	_ =	shalt  }
0x42: {  	_ =	shalt  }
0x43: {  	_ =	shalt  }
0x44: {  	_ =	shalt  }
0x45: {  	_ =	shalt  }
0x46: {  	_ =	shalt  }
0x47: {  	_ =	shalt  }
0x48: {  	_ =	shalt  }
0x49: {  	_ =	shalt  }
0x4a: {  	_ =	shalt  }
0x4b: {  	_ =	shalt  }
0x4c: {  	_ =	shalt  }
0x4d: {  	_ =	shalt  }
0x4e: {  	_ =	shalt  }
0x4f: {  	_ =	shalt  }
0x50: {  	_ =	shalt  }
0x51: {  	_ =	shalt  }
0x52: {  	_ =	shalt  }
0x53: {  	_ =	shalt  }
0x54: {  	_ =	shalt  }
0x55: {  	_ =	shalt  }
0x56: {  	_ =	shalt  }
0x57: {  	_ =	shalt  }
0x58: {  	_ =	shalt  }
0x59: {  	_ =	shalt  }
0x5a: {  	_ =	shalt  }
0x5b: {  	_ =	shalt  }
0x5c: {  	_ =	shalt  }
0x5d: {  	_ =	shalt  }
0x5e: {  	_ =	shalt  }
0x5f: {  	_ =	shalt  }
0x60: {  	_ =	shalt  }
0x61: {  	_ =	shalt  }
0x62: {  	_ =	shalt  }
0x63: {  	_ =	shalt  }
0x64: {  	_ =	shalt  }
0x65: {  	_ =	shalt  }
0x66: {  	_ =	shalt  }
0x67: {  	_ =	shalt  }
0x68: {  	_ =	shalt  }
0x69: {  	_ =	shalt  }
0x6a: {  	_ =	shalt  }
0x6b: {  	_ =	shalt  }
0x6c: {  	_ =	shalt  }
0x6d: {  	_ =	shalt  }
0x6e: {  	_ =	shalt  }
0x6f: {  	_ =	shalt  }
0x70: {  	_ =	shalt  }
0x71: {  	_ =	shalt  }
0x72: {  	_ =	shalt  }
0x73: {  	_ =	shalt  }
0x74: {  	_ =	shalt  }
0x75: {  	_ =	shalt  }
0x76: {  	_ =	shalt  }
0x77: {  	_ =	shalt  }
0x78: {  	_ =	shalt  }
0x79: {  	_ =	shalt  }
0x7a: {  	_ =	shalt  }
0x7b: {  	_ =	shalt  }
0x7c: {  	_ =	shalt  }
0x7d: {  	_ =	shalt  }
0x7e: {  	_ =	shalt  }
0x7f: {  	_ =	shalt  }
0x80: {  	_ =	shalt  }
0x81: {  	_ =	shalt  }
0x82: {  	_ =	shalt  }
0x83: {  	_ =	shalt  }
0x84: {  	_ =	shalt  }
0x85: {  	_ =	shalt  }
0x86: {  	_ =	shalt  }
0x87: {  	_ =	shalt  }
.Lfunc_end0:
.L_simem_size_0:
called_computation.1_lowered:
.L_overlay_start_0:
0x88: {  	s2 =	sld [smem:$0x3FD9]  }
0x89: {  	s3 =	sld [smem:$0x3FFE];
	_ =	sdelay $0x1  }
0x8a: {  	s1 =	srdreg.scid  }
0x8b: {  	s0 =	sand.u32 $0x1, s1  }
0x8c: {  	s17 =	sshll.u32 s0, $0xA;
	s2 =	sadd.s32 s3, s2  }
0x8d: {  	s2 =	sadd.s32 s2, s17  }
0x8e: {  	[smem:$0x3FB4] =	sst s2  }
0x8f: {  	_ = 	snop  }
0x90: {  	s2 =	sld [smem:$0x3FD0];
	(tm) =	ssettm $0x1  }
0x91: {  	s18 =	sld [smem:$0x3FFB];
	_ =	sdelay $0x3  }
0x92: {  	_ =	strace s18  }
0x93: {  	s3 =	sld [smem:$0x3FFC];
	_ =	sdelay $0x3  }
0x94: {  	_ =	strace s3  }
0x95: {  	s3 =	sld [smem:$0x3FFD];
	_ =	sdelay $0x3  }
0x96: {  	_ =	strace s3  }
0x97: {  	_ =	strace $0x8FFFFFFF  }
0x98: {  	s19 =	sld [smem:$0x3FDB];
	_ =	sdelay $0x1  }
0x99: {  	s4 =	simm.s32 $_scs_section_size  }
0x9a: {  	s5 =	simm.s32 $_size__tile_overlayer_lowered;
	s6 =	simm.s32 $_tile_overlayer_lowered  }
0x9b: {  	s22 =	simm.s32 $0x1BFF;
	s21 =	sshll.u32 s6, $0x1;
	s3 =	sadd.s32 s4, s19  }
0x9c: {  	s7 =	simm.s32 $0x0;
	s20 =	sshll.u32 s5, $0x1;
	s5 =	sadd.s32 s21, s3  }
0x9d: {  	[timem:s7], [sflag:s22] =	dma.local [hbm:s5], s20  }
0x9e: {  	_ =	swait.ge [sflag:s22], s20  }
0x9f: {  	s4 =	ssub.s32 $0x0, s20;
	[sflag:s22] =	ssyncset.done $0x0  }
0xa0: {  	[sflag:s22] =	ssyncadd.s32 s4;
	_ =	sdelay $0x1  }
0xa1: {  	s23 =	simm.s32 $0x1B8B  }
0xa2: {  	_ =	swait.ge [sflag:s23], $0x1  }
0xa3: {  	[sflag:s23] =	ssyncset.done $0x0  }
0xa4: {  	s25 =	simm.s32 $0x1B8E;
	s24 =	sld [smem:$0x3FFE];
	[sflag:s23] =	ssyncadd.s32 $0xFFFFFFFF  }
0xa5: {  	s26 =	simm.s32 $execute0_lowered;
	[smem:$0x3FD2] =	sst s25  }
0xa6: {  	s5 =	sshll.u32 s26, $0x1;
	_ =	strace $0x80000049;
	[dreg:$0x1] =	wrdreg $0xFFFFFFFF  }
0xa7: {  	s28 =	simm.s32 $_size_execute0_lowered;
	s3 =	sadd.s32 s3, s5;
	[dreg:$0x0] =	wrdreg $0x0  }
0xa8: {  	s5 =	sshll.u32 s28, $0x1;
	[dreg:$0x2] =	wrdreg s3  }
0xa9: {  	[dreg:$0x3] =	wrdreg s5  }
0xaa: {  	[dreg:$0x4] =	wrdreg $0xC0  }
0xab: {  	_ =	task [dreg:s7], $0x5FFFF  }
0xac: {  	[dreg:$0x1] =	wrdreg $0xFFFFFFFF  }
0xad: {  	[dreg:$0x0] =	wrdreg $0x60  }
0xae: {  	[dreg:$0x2] =	wrdreg s24  }
0xaf: {  	[dreg:$0x3] =	wrdreg s2  }
0xb0: {  	[dreg:$0x4] =	wrdreg $0x9  }
0xb1: {  	_ =	task.clear_ibuf [dreg:s7], $0x5FFFF;
	_ =	strace $0x90000049  }
0xb2: {  	s29 =	simm.s32 $0x9;
	_ =	strace $0x8000004B  }
0xb3: {  	_ =	swait.ge [sflag:s29], $0x1  }
0xb4: {  	[sflag:s29] =	ssyncadd.s32 $0xFFFFFFFF  }
0xb5: {  	_ =	strace $0x9000004B  }
0xb6: {  	_ =	sfence  }
0xb7: {  	s30 =	sld [smem:$0x0];
	_ =	sdelay $0x2  }
0xb8: {  	s31 =	sshll.u32 s1, $0xD;
	s1 =	sshrl.u32 s1, $0x2  }
0xb9: {  	s3 =	sand.u32 $0x4000, s31;
	s1 =	sadd.s32 s1, s30  }
0xba: {  	s0 =	sor.u32 s3, s0;
	s1 =	sshll.u32 s1, $0x11  }
0xbb: {  	s0 =	sor.u32 s1, s0  }
0xbc: {  	s0 =	sadd.s32 $0x8F2B, s0  }
0xbd: {  	[sflag:s0] =	ssyncadd.remote.s32 $0x1  }
0xbe: {  	_ =	sfence.sel $0xFFFF  }
0xbf: {  	[dreg:$0x0] =	wrdreg $0xFFFFFFFF;
	(pc) =	sbr.abs _section_cstart, $3  }
0xc0: {  	[dreg:$0x1] =	wrdreg $0xFFFFFFFF  }
0xc1: {  	_ =	task.clear_ibuf [dreg:s7], $0x2FFFF;
	_ =	strace $0x9FFFFFFF  }
0xc2: {  	(tm) =	ssettm $0x7FFFFFFF  }
0xc3: {  	_ =	shalt  }
tec
execute0_lowered:
.L_overlay_start_1:
0x0: {  	(tag) =	ssettag $0x1  }
0x1: {  	s6 =	rddreg [dreg:$0x0]  }
0x2: {  	s1 =	rddreg [dreg:$0x1]  }
0x3: {  	s0 =	rddreg [dreg:$0x2];
	s2 =	simm.s32 $0x0;
	s5 =	srdreg.scid  }
0x4: {  	s3 =	stileid.u32;
	[smem:$0x7FF] =	sst s2  }
0x5: {  	s4 =	sadd.s32 $0x202000, s6;
	s7 =	sand.u32 $0x1, s5;
	s5 =	sadd.s32 $0x1400, s6  }
0x6: {  	s8 =	sshll.u32 s3, $0x14;
	s13 =	sadd.s32 $0x1C00, s6;
	s9 =	sshll.u32 s7, $0x13  }
0x7: {  	_ =	strace $0x8000004A;
	s26 =	ssub.s32 $0x2, s7;
	s11 =	sor.u32 s9, s8  }
0x8: {  	s7 =	sshrl.u32 s26, $0x1;
	s8 =	sshrl.u32 s11, $0x3;
	s12 =	sor.u32 $0x10000, s11  }
0x9: {  	s14 =	ssub.s32 s26, s7;
	s15 =	sor.u32 $0x20000, s11;
	s16 =	sor.u32 $0x30000, s11  }
0xa: {  	s17 =	sor.u32 $0x40000, s11;
	s18 =	sor.u32 $0x50000, s11;
	s19 =	sor.u32 $0x60000, s11  }
0xb: {  	s22 =	sor.u32 $0x70000, s11;
	s6 =	sadd.s32 s13, s8;
	s28 =	sshrl.u32 s12, $0x3  }
0xc: {  	s29 =	sshrl.u32 s15, $0x3;
	s30 =	sshrl.u32 s16, $0x3;
	s10 =	sshrl.u32 s17, $0x3  }
0xd: {  	s20 =	sshrl.u32 s18, $0x3;
	s21 =	sshrl.u32 s19, $0x3;
	s31 =	sshrl.u32 s22, $0x3  }
0xe: {  	v2 =	vmov s15;
	v3 =	vmov s16;
	s14 =	smax.u32 s14, $0x1;
	s15 =	simm.s32 $0x1;
	s16 =	simm.s32 $0x4000  }
0xf: {  	v4 =	vmov s17;
	v5 =	vmov s18;
	s17 =	simm.s32 $0x8000;
	s18 =	simm.s32 $0x0;
	s7 =	sadd.s32 s13, s28  }
0x10: {  	v0 =	vmov s11;
	s8 =	sadd.s32 s13, s29;
	s9 =	sadd.s32 s13, s30;
	s10 =	sadd.s32 s13, s10  }
0x11: {  	v1 =	vmov s12;
	v6 =	vmov s19;
	v7 =	vmov s22;
	s11 =	sadd.s32 s13, s20;
	s12 =	sadd.s32 s13, s21;
	s13 =	sadd.s32 s13, s31  }
.LBB2_1:
0x12: {  	[tilespmem:s2], [sflag:$0x1] =	stream.linear.gather [hbm4b:s4+s2], $0x4000, $0x38;
	[tilespmem:$0x18000] =	vst v63  }
0x13: {  	_ =	swait.ge [sflag:s15], $0x4000  }
0x14: {  	[sflag:s15] =	ssyncset.done $0x0  }
0x15: {  	[sflag:s15] =	ssyncadd.s32 $0xFFFFC000  }
0x16: {  	[tilespmem:s16], [sflag:$0x1] =	stream.linear.gather [hbm4b:s5+s2], $0x4000, $0x38;
	[tilespmem:$0x18000] =	vst v63  }
0x17: {  	_ =	swait.ge [sflag:s15], $0x4000  }
0x18: {  	[sflag:s15] =	ssyncset.done $0x0  }
0x19: {  	[sflag:s15] =	ssyncadd.s32 $0xFFFFC000  }
0x1a: {  	[tilespmem:s17], [sflag:$0x1] =	stream.linear.gather [hbm4b:s1+s2], $0x10000, $0x38;
	[tilespmem:$0x18000] =	vst v63  }
0x1b: {  	_ =	swait.ge [sflag:s15], $0x10000  }
0x1c: {  	[sflag:s15] =	ssyncset.done $0x0  }
0x1d: {  	s20 =	simm.s32 $0x0;
	s19 =	simm.s32 $0x40;
	[sflag:s15] =	ssyncadd.s32 $0xFFFF0000  }
.LBB2_2:
0x1e: {  	p0 =	sne.s32 s19, $0xFFC0;
	v8 =	vld [tilespmem:s20+$0x0];
	_ =	sdelay $0x4  }
0x1f: {  	v8 =	vsub.s32 v8, v0  }
0x20: {  	vm0 =	vlt.u32 v8, $0x10000  }
0x21: {  	v9 =	vld [tilespmem:s20+$0x4000];
	v8 =	vnsel vm0, $0x0, v8  }
.Ltmp0:
0x22: {  	(pc) =	sbr.rel @p0 .LBB2_2-.Ltmp0, $2  }
0x23: {  	_ =	sdelay $0x2  }
0x24: {  	s20 =	sshra.s32 s19, $0x2;
	s19 =	sadd.s32 $0x40, s19;
	[tilespmem:v8+s17+$0x0] =	vst.idx.add.f32.msk vm0, v9  }
0x25: {  	v8 =	vld [tilespmem:s20+$0x0];
	_ =	sdelay $0x4  }
0x26: {  	v8 =	vsub.s32 v8, v0  }
0x27: {  	vm0 =	vlt.u32 v8, $0x10000  }
0x28: {  	v9 =	vld [tilespmem:s20+$0x4000];
	v8 =	vnsel vm0, $0x0, v8;
	_ =	sdelay $0x4  }
0x29: {  	s19 =	simm.s32 $0x0;
	[tilespmem:v8+s17+$0x0] =	vst.idx.add.f32.msk vm0, v9  }
0x2a: {  	[hbm4b:s6+s19] =	stream.linear.scatter [tilespmem:s17], [sflag:$0x1], $0x10000, $0x38;
	[tilespmem:$0x18000] =	vst v63  }
0x2b: {  	_ =	swait.ge [sflag:s15], $0x10000  }
0x2c: {  	[sflag:s15] =	ssyncset.done $0x0  }
0x2d: {  	[sflag:s15] =	ssyncadd.s32 $0xFFFF0000  }
0x2e: {  	[tilespmem:s17], [sflag:$0x1] =	stream.linear.gather [hbm4b:s1+s19], $0x10000, $0x38;
	[tilespmem:$0x18000] =	vst v63  }
0x2f: {  	_ =	swait.ge [sflag:s15], $0x10000  }
0x30: {  	[sflag:s15] =	ssyncset.done $0x0  }
0x31: {  	s20 =	simm.s32 $0x0;
	s19 =	simm.s32 $0x40;
	[sflag:s15] =	ssyncadd.s32 $0xFFFF0000  }
.LBB2_4:
0x32: {  	p0 =	sne.s32 s19, $0xFFC0;
	v8 =	vld [tilespmem:s20+$0x0];
	_ =	sdelay $0x4  }
0x33: {  	v8 =	vsub.s32 v8, v1  }
0x34: {  	vm0 =	vlt.u32 v8, $0x10000  }
0x35: {  	v9 =	vld [tilespmem:s20+$0x4000];
	v8 =	vnsel vm0, $0x0, v8  }
.Ltmp1:
0x36: {  	(pc) =	sbr.rel @p0 .LBB2_4-.Ltmp1, $2  }
0x37: {  	_ =	sdelay $0x2  }
0x38: {  	s20 =	sshra.s32 s19, $0x2;
	s19 =	sadd.s32 $0x40, s19;
	[tilespmem:v8+s17+$0x0] =	vst.idx.add.f32.msk vm0, v9  }
0x39: {  	v8 =	vld [tilespmem:s20+$0x0];
	_ =	sdelay $0x4  }
0x3a: {  	v8 =	vsub.s32 v8, v1  }
0x3b: {  	vm0 =	vlt.u32 v8, $0x10000  }
0x3c: {  	v9 =	vld [tilespmem:s20+$0x4000];
	v8 =	vnsel vm0, $0x0, v8;
	_ =	sdelay $0x4  }
0x3d: {  	s19 =	simm.s32 $0x0;
	[tilespmem:v8+s17+$0x0] =	vst.idx.add.f32.msk vm0, v9  }
0x3e: {  	[hbm4b:s7+s19] =	stream.linear.scatter [tilespmem:s17], [sflag:$0x1], $0x10000, $0x38;
	[tilespmem:$0x18000] =	vst v63  }
0x3f: {  	_ =	swait.ge [sflag:s15], $0x10000  }
0x40: {  	[sflag:s15] =	ssyncset.done $0x0  }
0x41: {  	[sflag:s15] =	ssyncadd.s32 $0xFFFF0000  }
0x42: {  	[tilespmem:s17], [sflag:$0x1] =	stream.linear.gather [hbm4b:s1+s19], $0x10000, $0x38;
	[tilespmem:$0x18000] =	vst v63  }
0x43: {  	_ =	swait.ge [sflag:s15], $0x10000  }
0x44: {  	[sflag:s15] =	ssyncset.done $0x0  }
0x45: {  	s20 =	simm.s32 $0x0;
	s19 =	simm.s32 $0x40;
	[sflag:s15] =	ssyncadd.s32 $0xFFFF0000  }
.LBB2_6:
0x46: {  	p0 =	sne.s32 s19, $0xFFC0;
	v8 =	vld [tilespmem:s20+$0x0];
	_ =	sdelay $0x4  }
0x47: {  	v8 =	vsub.s32 v8, v2  }
0x48: {  	vm0 =	vlt.u32 v8, $0x10000  }
0x49: {  	v9 =	vld [tilespmem:s20+$0x4000];
	v8 =	vnsel vm0, $0x0, v8  }
.Ltmp2:
0x4a: {  	(pc) =	sbr.rel @p0 .LBB2_6-.Ltmp2, $2  }
0x4b: {  	_ =	sdelay $0x2  }
0x4c: {  	s20 =	sshra.s32 s19, $0x2;
	s19 =	sadd.s32 $0x40, s19;
	[tilespmem:v8+s17+$0x0] =	vst.idx.add.f32.msk vm0, v9  }
0x4d: {  	v8 =	vld [tilespmem:s20+$0x0];
	_ =	sdelay $0x4  }
0x4e: {  	v8 =	vsub.s32 v8, v2  }
0x4f: {  	vm0 =	vlt.u32 v8, $0x10000  }
0x50: {  	v9 =	vld [tilespmem:s20+$0x4000];
	v8 =	vnsel vm0, $0x0, v8;
	_ =	sdelay $0x4  }
0x51: {  	s19 =	simm.s32 $0x0;
	[tilespmem:v8+s17+$0x0] =	vst.idx.add.f32.msk vm0, v9  }
0x52: {  	[hbm4b:s8+s19] =	stream.linear.scatter [tilespmem:s17], [sflag:$0x1], $0x10000, $0x38;
	[tilespmem:$0x18000] =	vst v63  }
0x53: {  	_ =	swait.ge [sflag:s15], $0x10000  }
0x54: {  	[sflag:s15] =	ssyncset.done $0x0  }
0x55: {  	[sflag:s15] =	ssyncadd.s32 $0xFFFF0000  }
0x56: {  	[tilespmem:s17], [sflag:$0x1] =	stream.linear.gather [hbm4b:s1+s19], $0x10000, $0x38;
	[tilespmem:$0x18000] =	vst v63  }
0x57: {  	_ =	swait.ge [sflag:s15], $0x10000  }
0x58: {  	[sflag:s15] =	ssyncset.done $0x0  }
0x59: {  	s20 =	simm.s32 $0x0;
	s19 =	simm.s32 $0x40;
	[sflag:s15] =	ssyncadd.s32 $0xFFFF0000  }
.LBB2_8:
0x5a: {  	p0 =	sne.s32 s19, $0xFFC0;
	v8 =	vld [tilespmem:s20+$0x0];
	_ =	sdelay $0x4  }
0x5b: {  	v8 =	vsub.s32 v8, v3  }
0x5c: {  	vm0 =	vlt.u32 v8, $0x10000  }
0x5d: {  	v9 =	vld [tilespmem:s20+$0x4000];
	v8 =	vnsel vm0, $0x0, v8  }
.Ltmp3:
0x5e: {  	(pc) =	sbr.rel @p0 .LBB2_8-.Ltmp3, $2  }
0x5f: {  	_ =	sdelay $0x2  }
0x60: {  	s20 =	sshra.s32 s19, $0x2;
	s19 =	sadd.s32 $0x40, s19;
	[tilespmem:v8+s17+$0x0] =	vst.idx.add.f32.msk vm0, v9  }
0x61: {  	v8 =	vld [tilespmem:s20+$0x0];
	_ =	sdelay $0x4  }
0x62: {  	v8 =	vsub.s32 v8, v3  }
0x63: {  	vm0 =	vlt.u32 v8, $0x10000  }
0x64: {  	v9 =	vld [tilespmem:s20+$0x4000];
	v8 =	vnsel vm0, $0x0, v8;
	_ =	sdelay $0x4  }
0x65: {  	s19 =	simm.s32 $0x0;
	[tilespmem:v8+s17+$0x0] =	vst.idx.add.f32.msk vm0, v9  }
0x66: {  	[hbm4b:s9+s19] =	stream.linear.scatter [tilespmem:s17], [sflag:$0x1], $0x10000, $0x38;
	[tilespmem:$0x18000] =	vst v63  }
0x67: {  	_ =	swait.ge [sflag:s15], $0x10000  }
0x68: {  	[sflag:s15] =	ssyncset.done $0x0  }
0x69: {  	[sflag:s15] =	ssyncadd.s32 $0xFFFF0000  }
0x6a: {  	[tilespmem:s17], [sflag:$0x1] =	stream.linear.gather [hbm4b:s1+s19], $0x10000, $0x38;
	[tilespmem:$0x18000] =	vst v63  }
0x6b: {  	_ =	swait.ge [sflag:s15], $0x10000  }
0x6c: {  	[sflag:s15] =	ssyncset.done $0x0  }
0x6d: {  	s20 =	simm.s32 $0x0;
	s19 =	simm.s32 $0x40;
	[sflag:s15] =	ssyncadd.s32 $0xFFFF0000  }
.LBB2_10:
0x6e: {  	p0 =	sne.s32 s19, $0xFFC0;
	v8 =	vld [tilespmem:s20+$0x0];
	_ =	sdelay $0x4  }
0x6f: {  	v8 =	vsub.s32 v8, v4  }
0x70: {  	vm0 =	vlt.u32 v8, $0x10000  }
0x71: {  	v9 =	vld [tilespmem:s20+$0x4000];
	v8 =	vnsel vm0, $0x0, v8  }
.Ltmp4:
0x72: {  	(pc) =	sbr.rel @p0 .LBB2_10-.Ltmp4, $2  }
0x73: {  	_ =	sdelay $0x2  }
0x74: {  	s20 =	sshra.s32 s19, $0x2;
	s19 =	sadd.s32 $0x40, s19;
	[tilespmem:v8+s17+$0x0] =	vst.idx.add.f32.msk vm0, v9  }
0x75: {  	v8 =	vld [tilespmem:s20+$0x0];
	_ =	sdelay $0x4  }
0x76: {  	v8 =	vsub.s32 v8, v4  }
0x77: {  	vm0 =	vlt.u32 v8, $0x10000  }
0x78: {  	v9 =	vld [tilespmem:s20+$0x4000];
	v8 =	vnsel vm0, $0x0, v8;
	_ =	sdelay $0x4  }
0x79: {  	s19 =	simm.s32 $0x0;
	[tilespmem:v8+s17+$0x0] =	vst.idx.add.f32.msk vm0, v9  }
0x7a: {  	[hbm4b:s10+s19] =	stream.linear.scatter [tilespmem:s17], [sflag:$0x1], $0x10000, $0x38;
	[tilespmem:$0x18000] =	vst v63  }
0x7b: {  	_ =	swait.ge [sflag:s15], $0x10000  }
0x7c: {  	[sflag:s15] =	ssyncset.done $0x0  }
0x7d: {  	[sflag:s15] =	ssyncadd.s32 $0xFFFF0000  }
0x7e: {  	[tilespmem:s17], [sflag:$0x1] =	stream.linear.gather [hbm4b:s1+s19], $0x10000, $0x38;
	[tilespmem:$0x18000] =	vst v63  }
0x7f: {  	_ =	swait.ge [sflag:s15], $0x10000  }
0x80: {  	[sflag:s15] =	ssyncset.done $0x0  }
0x81: {  	s20 =	simm.s32 $0x0;
	s19 =	simm.s32 $0x40;
	[sflag:s15] =	ssyncadd.s32 $0xFFFF0000  }
.LBB2_12:
0x82: {  	p0 =	sne.s32 s19, $0xFFC0;
	v8 =	vld [tilespmem:s20+$0x0];
	_ =	sdelay $0x4  }
0x83: {  	v8 =	vsub.s32 v8, v5  }
0x84: {  	vm0 =	vlt.u32 v8, $0x10000  }
0x85: {  	v9 =	vld [tilespmem:s20+$0x4000];
	v8 =	vnsel vm0, $0x0, v8  }
.Ltmp5:
0x86: {  	(pc) =	sbr.rel @p0 .LBB2_12-.Ltmp5, $2  }
0x87: {  	_ =	sdelay $0x2  }
0x88: {  	s20 =	sshra.s32 s19, $0x2;
	s19 =	sadd.s32 $0x40, s19;
	[tilespmem:v8+s17+$0x0] =	vst.idx.add.f32.msk vm0, v9  }
0x89: {  	v8 =	vld [tilespmem:s20+$0x0];
	_ =	sdelay $0x4  }
0x8a: {  	v8 =	vsub.s32 v8, v5  }
0x8b: {  	vm0 =	vlt.u32 v8, $0x10000  }
0x8c: {  	v9 =	vld [tilespmem:s20+$0x4000];
	v8 =	vnsel vm0, $0x0, v8;
	_ =	sdelay $0x4  }
0x8d: {  	s19 =	simm.s32 $0x0;
	[tilespmem:v8+s17+$0x0] =	vst.idx.add.f32.msk vm0, v9  }
0x8e: {  	[hbm4b:s11+s19] =	stream.linear.scatter [tilespmem:s17], [sflag:$0x1], $0x10000, $0x38;
	[tilespmem:$0x18000] =	vst v63  }
0x8f: {  	_ =	swait.ge [sflag:s15], $0x10000  }
0x90: {  	[sflag:s15] =	ssyncset.done $0x0  }
0x91: {  	[sflag:s15] =	ssyncadd.s32 $0xFFFF0000  }
0x92: {  	[tilespmem:s17], [sflag:$0x1] =	stream.linear.gather [hbm4b:s1+s19], $0x10000, $0x38;
	[tilespmem:$0x18000] =	vst v63  }
0x93: {  	_ =	swait.ge [sflag:s15], $0x10000  }
0x94: {  	[sflag:s15] =	ssyncset.done $0x0  }
0x95: {  	s20 =	simm.s32 $0x0;
	s19 =	simm.s32 $0x40;
	[sflag:s15] =	ssyncadd.s32 $0xFFFF0000  }
.LBB2_14:
0x96: {  	p0 =	sne.s32 s19, $0xFFC0;
	v8 =	vld [tilespmem:s20+$0x0];
	_ =	sdelay $0x4  }
0x97: {  	v8 =	vsub.s32 v8, v6  }
0x98: {  	vm0 =	vlt.u32 v8, $0x10000  }
0x99: {  	v9 =	vld [tilespmem:s20+$0x4000];
	v8 =	vnsel vm0, $0x0, v8  }
.Ltmp6:
0x9a: {  	(pc) =	sbr.rel @p0 .LBB2_14-.Ltmp6, $2  }
0x9b: {  	_ =	sdelay $0x2  }
0x9c: {  	s20 =	sshra.s32 s19, $0x2;
	s19 =	sadd.s32 $0x40, s19;
	[tilespmem:v8+s17+$0x0] =	vst.idx.add.f32.msk vm0, v9  }
0x9d: {  	v8 =	vld [tilespmem:s20+$0x0];
	_ =	sdelay $0x4  }
0x9e: {  	v8 =	vsub.s32 v8, v6  }
0x9f: {  	vm0 =	vlt.u32 v8, $0x10000  }
0xa0: {  	v9 =	vld [tilespmem:s20+$0x4000];
	v8 =	vnsel vm0, $0x0, v8;
	_ =	sdelay $0x4  }
0xa1: {  	s19 =	simm.s32 $0x0;
	[tilespmem:v8+s17+$0x0] =	vst.idx.add.f32.msk vm0, v9  }
0xa2: {  	[hbm4b:s12+s19] =	stream.linear.scatter [tilespmem:s17], [sflag:$0x1], $0x10000, $0x38;
	[tilespmem:$0x18000] =	vst v63  }
0xa3: {  	_ =	swait.ge [sflag:s15], $0x10000  }
0xa4: {  	[sflag:s15] =	ssyncset.done $0x0  }
0xa5: {  	[sflag:s15] =	ssyncadd.s32 $0xFFFF0000  }
0xa6: {  	[tilespmem:s17], [sflag:$0x1] =	stream.linear.gather [hbm4b:s1+s19], $0x10000, $0x38;
	[tilespmem:$0x18000] =	vst v63  }
0xa7: {  	_ =	swait.ge [sflag:s15], $0x10000  }
0xa8: {  	[sflag:s15] =	ssyncset.done $0x0  }
0xa9: {  	s20 =	simm.s32 $0x0;
	s19 =	simm.s32 $0x40;
	[sflag:s15] =	ssyncadd.s32 $0xFFFF0000  }
.LBB2_16:
0xaa: {  	p0 =	sne.s32 s19, $0xFFC0;
	v8 =	vld [tilespmem:s20+$0x0];
	_ =	sdelay $0x4  }
0xab: {  	v8 =	vsub.s32 v8, v7  }
0xac: {  	vm0 =	vlt.u32 v8, $0x10000  }
0xad: {  	v9 =	vld [tilespmem:s20+$0x4000];
	v8 =	vnsel vm0, $0x0, v8  }
.Ltmp7:
0xae: {  	(pc) =	sbr.rel @p0 .LBB2_16-.Ltmp7, $2  }
0xaf: {  	_ =	sdelay $0x2  }
0xb0: {  	s20 =	sshra.s32 s19, $0x2;
	s19 =	sadd.s32 $0x40, s19;
	[tilespmem:v8+s17+$0x0] =	vst.idx.add.f32.msk vm0, v9  }
0xb1: {  	v8 =	vld [tilespmem:s20+$0x0];
	_ =	sdelay $0x4  }
0xb2: {  	v8 =	vsub.s32 v8, v7  }
0xb3: {  	vm0 =	vlt.u32 v8, $0x10000  }
0xb4: {  	v9 =	vld [tilespmem:s20+$0x4000];
	v8 =	vnsel vm0, $0x0, v8;
	_ =	sdelay $0x2  }
0xb5: {  	s18 =	sadd.s32 $0x1, s18  }
0xb6: {  	p0 =	sne.s32 s18, s14  }
.Ltmp8:
0xb7: {  	[tilespmem:v8+s17+$0x0] =	vst.idx.add.f32.msk vm0, v9;
	(pc) =	sbr.rel @p0 .LBB2_1-.Ltmp8, $4  }
0xb8: {  	[hbm4b:s13+s2] =	stream.linear.scatter [tilespmem:s17], [sflag:$0x1], $0x10000, $0x38;
	[tilespmem:$0x18000] =	vst v63  }
0xb9: {  	_ =	swait.ge [sflag:s15], $0x10000  }
0xba: {  	[sflag:s15] =	ssyncset.done $0x0  }
0xbb: {  	[sflag:s15] =	ssyncadd.s32 $0xFFFF0000  }
0xbc: {  	_ =	sfence.sel $0x180000  }
0xbd: {  	[bflag:$0x0] =	sbarrier.arrive $0xFFFF  }
0xbe: {  	p0 =	sne.s32 s3, $0x0;
	_ =	strace $0x9000004A  }
0xbf: {  	s0 =	sadd.s32 @!p0 $0x100000, s0;
	[bflag:$0x2] =	sbarrier.arrive $0xFFFF  }
0xc0: {  	[sflag:s0] =	ssyncadd.tile.s32 @!p0 $0x1;
	_ =	shalt  }
.Lfunc_end2:
_tile_overlayer_lowered:
.L_overlay_start_2:
0xc1: {  	(tag) =	ssettag $0x2  }
0xc2: {  	s0 =	rddreg [dreg:$0x0];
	s2 =	stileid.u32  }
0xc3: {  	s1 =	rddreg [dreg:$0x1];
	p0 =	sne.s32 s2, $0x0  }
0xc4: {  	s3 =	rddreg [dreg:$0x2];
	[bflag:$0x3] =	sbarrier.arrive $0xFFFF;
	s2 =	simm.s32 @!p0 $0x1C01  }
0xc5: {  	[timem:s3], [sflag:s2] =	dma.local @!p0 [hbm:s0], s1  }
0xc6: {  	s0 =	simm.s32 @!p0 $0x1  }
0xc7: {  	_ =	swait.ge @!p0 [sflag:s0], s1  }
0xc8: {  	s1 =	ssub.s32 @!p0 $0x0, s1;
	[sflag:s0] =	ssyncset.done @!p0 $0x0  }
0xc9: {  	[sflag:s0] =	ssyncadd.s32 @!p0 s1  }
0xca: {  	[bflag:$0x3] =	sbarrier.arrive $0xFFFF  }
0xcb: {  	_ =	shalt  }

</sc_bundles>
